<compile_context>
chip_gen: v7x
topology: tpu7x:2x2x1
jax: 0.10.2.dev20260603
libtpu: 0.0.44.dev20260713+nightly
codegen_flags: <defaults>
</compile_context>

<pallas_src>
import jax
import jax.numpy as jnp
import numpy as np
from jax.experimental import pallas as pl
from jax.experimental.pallas import tpu as pltpu

_NEI = 1024
_MAXC = 100
_R = 16
_DS = 8

_TINY = np.float32(1.1754943508222875e-38)


def _threefry_bits(x1):
    ks = (jnp.uint32(0), jnp.uint32(42), jnp.uint32(0 ^ 42 ^ 0x1BD11BDA))
    rots = ((13, 15, 26, 6), (17, 29, 16, 24))

    def rotl(v, r):
        return (v << jnp.uint32(r)) | (v >> jnp.uint32(32 - r))

    x0 = x1
    x1 = x0 ^ rotl(x1, 13)
    for r in (15, 26, 6):
        x0 = x0 + x1
        x1 = x0 ^ rotl(x1, r)
    x0 = x0 + ks[1]
    x1 = x1 + ks[2] + jnp.uint32(1)
    for i in range(1, 5):
        for r in rots[i % 2]:
            x0 = x0 + x1
            x1 = x0 ^ rotl(x1, r)
        x0 = x0 + ks[(i + 1) % 3]
        x1 = x1 + ks[(i + 2) % 3] + jnp.uint32(i + 1)
    return x0 ^ x1


def _body(yts_ref, rows_ref, lam_ref, theta_ref, yt1_ref, z_ref, loss_ref,
          colsum, acc):
    g = pl.program_id(0)
    nsteps = pl.num_programs(0)

    @pl.when(g == 0)
    def _init():
        colsum[...] = jnp.zeros_like(colsum)
        acc[0] = 0.0
        acc[1] = 0.0

    theta = theta_ref[...]
    recip = 1.0 / theta

    j3_io = jax.lax.broadcasted_iota(jnp.int32, (1, 1, _NEI), 2)
    r1_io = jax.lax.broadcasted_iota(jnp.int32, (_R, _DS, 1), 0)
    s1_io = jax.lax.broadcasted_iota(jnp.int32, (_R, _DS, 1), 1)

    rs = [rows_ref[g * _R + k] for k in range(_R)]
    ns = [yts_ref[g * _R + k] for k in range(_R)]
    rowid = rs[-1]
    cnt = ns[-1]
    maxcnt = ns[-1]
    for k in reversed(range(_R - 1)):
        rowid = jnp.where(r1_io == k, rs[k], rowid)
        cnt = jnp.where(r1_io == k, ns[k], cnt)
        maxcnt = jnp.maximum(maxcnt, ns[k])
    rowbase = rowid * (_MAXC * _NEI) + s1_io * _NEI + 42

    def it_body(it, zacc):
        x1 = ((rowbase + it * (_DS * _NEI)) + j3_io).astype(jnp.uint32)
        bits = _threefry_bits(x1)
        fb = (bits >> jnp.uint32(9)) | jnp.uint32(0x3F800000)
        f = jax.lax.bitcast_convert_type(fb, jnp.float32) - 1.0
        u = f + _TINY
        val = jnp.log(u) * recip
        maxv = jnp.max(val, axis=2, keepdims=True)
        msel = jnp.where(s1_io + it * _DS < cnt, maxv, 1.0)
        return zacc + jnp.where(val == msel, 1.0, 0.0)

    niter = (maxcnt + (_DS - 1)) // _DS
    zacc = jax.lax.fori_loop(0, niter, it_body,
                             jnp.zeros((_R, _DS, _NEI), jnp.float32))
    z = jnp.sum(zacc, axis=1, keepdims=True)
    z_ref[...] = z

    theta_log = jnp.maximum(jnp.log(theta), -104.0)
    z_log = jnp.maximum(jnp.log(z), -104.0)
    obj_c = jnp.sum(z * (theta_log + 1.0 - z_log))
    cntf = cnt[:, 0, :].astype(jnp.float32)
    et_c = jnp.sum((cntf - jnp.sum(z[:, 0, :], axis=1, keepdims=True)) ** 2)
    acc[0] += obj_c
    acc[1] += et_c
    colsum[...] += jnp.sum(z[:, 0, :], axis=0, keepdims=True)

    @pl.when(g == nsteps - 1)
    def _fin():
        et1 = jnp.sum((yt1_ref[...] - colsum[...]) ** 2)
        gtot = acc[0] - lam_ref[0, 0] * (acc[1] + et1)
        loss_ref[0, 0] = -gtot


def kernel(theta, yt, yt1, lam):
    n, nei = theta.shape
    yti = yt.astype(jnp.int32)
    perm = jnp.argsort(yti)
    theta_s = theta[perm].reshape(n, 1, nei)
    yts = yti[perm]
    yt1b = yt1.reshape(1, nei)
    lamb = jnp.asarray(lam, jnp.float32).reshape(1, 1)

    z_s, loss = pl.pallas_call(
        _body,
        grid=(n // _R,),
        in_specs=[
            pl.BlockSpec(memory_space=pltpu.SMEM),
            pl.BlockSpec(memory_space=pltpu.SMEM),
            pl.BlockSpec(memory_space=pltpu.SMEM),
            pl.BlockSpec((_R, 1, nei), lambda g: (g, 0, 0)),
            pl.BlockSpec((1, nei), lambda g: (0, 0)),
        ],
        out_specs=[
            pl.BlockSpec((_R, 1, nei), lambda g: (g, 0, 0)),
            pl.BlockSpec(memory_space=pltpu.SMEM),
        ],
        out_shape=[
            jax.ShapeDtypeStruct((n, 1, nei), jnp.float32),
            jax.ShapeDtypeStruct((1, 1), jnp.float32),
        ],
        scratch_shapes=[
            pltpu.VMEM((1, nei), jnp.float32),
            pltpu.SMEM((2,), jnp.float32),
        ],
    )(yts, perm.astype(jnp.int32), lamb, theta_s, yt1b)
    invperm = jnp.argsort(perm)
    return (loss[0, 0], z_s.reshape(n, nei)[invperm])

# --- scband reference (transcript-rebuilt; emitter-appended) ---
"""Pipeline reference for scband-ncgm-objective-50577534878298 (READ-ONLY COPY).

The authoritative reference and input builder live on the scoring server;
editing this copy changes nothing except your own understanding.
"""

import jax, jax.numpy as jnp
import numpy as np

L = 4096
NEI = 1024
MAX_COUNT = 100


def setup_inputs(seed: int = 0) -> dict:
    key = jax.random.key(seed)
    k1, k2, k3 = jax.random.split(key, 3)
    theta = jax.random.uniform(k1, (L, NEI), dtype=jnp.float32, minval=1e-6, maxval=1.0)
    yt = jax.random.randint(k2, (L,), 0, MAX_COUNT).astype(jnp.float32)
    yt1 = jax.random.randint(k3, (NEI,), 0, MAX_COUNT).astype(jnp.float32)
    lam = jnp.float32(1.0)
    return {"theta": theta, "yt": yt, "yt1": yt1, "lam": lam}


def _sample_multinomial(key, theta, counts, max_count):
    # Vectorized equivalent of per-row torch.distributions.Multinomial(total_count=counts[i], probs=theta[i]).sample()
    # Draw max_count categorical samples per row, mask out draws beyond the row's total_count, scatter-add counts.
    n = theta.shape[0]
    logits = jnp.log(jnp.clip(theta, 1e-30, None))
    draws = jax.random.categorical(key, logits[:, None, :], axis=-1, shape=(n, max_count))
    mask = (jnp.arange(max_count)[None, :] < counts[:, None]).astype(jnp.float32)
    Z = jnp.zeros_like(theta).at[jnp.arange(n)[:, None], draws].add(mask)
    return Z


def reference(theta, yt, yt1, lam):
    key = jax.random.key(42)
    counts = yt.astype(jnp.int32)
    Z = _sample_multinomial(key, theta, counts, MAX_COUNT)
    theta_log = jnp.clip(jnp.log(theta), -104.0, None)
    Z_log = jnp.clip(jnp.log(Z), -104.0, None)  # log(0) = -inf -> clamped to -104, matching torch
    # obj_L = sum_i Z[i] . (theta_log[i] + 1 - Z_log[i])
    obj_L = jnp.sum(Z * (theta_log + 1.0 - Z_log))
    # mse_loss(reduction='sum')
    et = jnp.sum((yt - Z.sum(axis=1)) ** 2)
    et1 = jnp.sum((yt1 - Z.sum(axis=0)) ** 2)
    G = obj_L - lam * (et + et1)
    return (-G, Z)

if __name__ == "__main__":
    import jax
    _d = setup_inputs()
    print(jax.jit(kernel)(*tuple(_d.values())))

</pallas_src>

<mosaic_0001>
module attributes {stable_mosaic.version = 14 : i64} {
  func.func @_body(%arg0: i32, %arg1: memref<4096xi32, #tpu.memory_space<smem>>, %arg2: memref<4096xi32, #tpu.memory_space<smem>>, %arg3: memref<1x1xf32, #tpu.memory_space<smem>>, %arg4: memref<16x1x1024xf32, #tpu.memory_space<vmem>>, %arg5: memref<1x1024xf32, #tpu.memory_space<vmem>>, %arg6: memref<16x1x1024xf32, #tpu.memory_space<vmem>>, %arg7: memref<1x1xf32, #tpu.memory_space<smem>>, %arg8: memref<1x1024xf32, #tpu.memory_space<vmem>>, %arg9: memref<2xf32, #tpu.memory_space<smem>>) attributes {dimension_semantics = [#tpu.dimension_semantics<arbitrary>], iteration_bounds = array<i64: 256>, scalar_prefetch = 0 : i64, scratch_operands = 2 : i64, tpu.core_type = #tpu.core_type<tc>, window_params = [{transform_indices = @transform_0, window_bounds = array<i64: 4096>}, {transform_indices = @transform_1, window_bounds = array<i64: 4096>}, {transform_indices = @transform_2, window_bounds = array<i64: 1, 1>}, {transform_indices = @transform_3, window_bounds = array<i64: 16, 1, 1024>}, {pipeline_mode = #tpu.pipeline_mode<synchronous>, transform_indices = @transform_4, window_bounds = array<i64: 1, 1024>}, {transform_indices = @transform_5, window_bounds = array<i64: 16, 1, 1024>}, {transform_indices = @transform_6, window_bounds = array<i64: 1, 1>}]} {
    %eq3A = arith.constant 0 : i32
    %eq3A_0 = arith.cmpi eq, %arg0, %eq3A : i32
    %convert_element_type3A = arith.extui %eq3A_0 : i1 to i32
    %cond3A = arith.constant 0 : i32
    %cond3A_1 = arith.cmpi ne, %convert_element_type3A, %cond3A : i32
    scf.if %cond3A_1 {
      %broadcast_in_dim3A_464 = arith.constant 0.000000e+00 : f32
      %broadcast_in_dim3A_465 = vector.broadcast %broadcast_in_dim3A_464 : f32 to vector<1x1024xf32>
      %swap3A_466 = arith.constant 0 : index
      %swap3A_467 = arith.constant 0 : index
      %swap3A_468 = vector.load %arg8[%swap3A_466, %swap3A_467] : memref<1x1024xf32, #tpu.memory_space<vmem>>, vector<1x1024xf32>
      tpu.vector_store %arg8[%swap3A_466, %swap3A_467], %broadcast_in_dim3A_465 {strides = array<i32>} : memref<1x1024xf32, #tpu.memory_space<vmem>>, vector<1x1024xf32>,
      %swap3A_469 = arith.constant 0.000000e+00 : f32
      %swap3A_470 = arith.constant 0 : index
      %swap3A_471 = memref.load %arg9[%swap3A_470] : memref<2xf32, #tpu.memory_space<smem>>
      memref.store %swap3A_469, %arg9[%swap3A_470] : memref<2xf32, #tpu.memory_space<smem>>
      %swap3A_472 = arith.constant 0.000000e+00 : f32
      %swap3A_473 = arith.constant 1 : index
      %swap3A_474 = memref.load %arg9[%swap3A_473] : memref<2xf32, #tpu.memory_space<smem>>
      memref.store %swap3A_472, %arg9[%swap3A_473] : memref<2xf32, #tpu.memory_space<smem>>
    } else {
    }
    %get3A = arith.constant 0 : index
    %get3A_2 = arith.constant 0 : index
    %get3A_3 = arith.constant 0 : index
    %get3A_4 = vector.load %arg4[%get3A, %get3A_2, %get3A_3] : memref<16x1x1024xf32, #tpu.memory_space<vmem>>, vector<16x1x1024xf32>
    %div3A = arith.constant 1.000000e+00 : f32
    %div3A_5 = vector.broadcast %div3A : f32 to vector<16x1x1024xf32>
    %div3A_6 = arith.divf %div3A_5, %get3A_4 : vector<16x1x1024xf32>
    %iota3A = tpu.iota {dimensions = array<i32: 2>} : vector<1x1x1024xi32>
    %iota3A_7 = tpu.iota {dimensions = array<i32: 0>} : vector<16x8x1xi32>
    %iota3A_8 = tpu.iota {dimensions = array<i32: 1>} : vector<16x8x1xi32>
    %mul3A = arith.constant 16 : i32
    %mul3A_9 = arith.muli %arg0, %mul3A : i32
    %add3A = arith.constant 0 : i32
    %add3A_10 = arith.addi %mul3A_9, %add3A : i32
    %get3A_11 = arith.index_cast %add3A_10 : i32 to index
    %get3A_12 = memref.load %arg2[%get3A_11] : memref<4096xi32, #tpu.memory_space<smem>>
    %mul3A_13 = arith.constant 16 : i32
    %mul3A_14 = arith.muli %arg0, %mul3A_13 : i32
    %add3A_15 = arith.constant 1 : i32
    %add3A_16 = arith.addi %mul3A_14, %add3A_15 : i32
    %get3A_17 = arith.index_cast %add3A_16 : i32 to index
    %get3A_18 = memref.load %arg2[%get3A_17] : memref<4096xi32, #tpu.memory_space<smem>>
    %mul3A_19 = arith.constant 16 : i32
    %mul3A_20 = arith.muli %arg0, %mul3A_19 : i32
    %add3A_21 = arith.constant 2 : i32
    %add3A_22 = arith.addi %mul3A_20, %add3A_21 : i32
    %get3A_23 = arith.index_cast %add3A_22 : i32 to index
    %get3A_24 = memref.load %arg2[%get3A_23] : memref<4096xi32, #tpu.memory_space<smem>>
    %mul3A_25 = arith.constant 16 : i32
    %mul3A_26 = arith.muli %arg0, %mul3A_25 : i32
    %add3A_27 = arith.constant 3 : i32
    %add3A_28 = arith.addi %mul3A_26, %add3A_27 : i32
    %get3A_29 = arith.index_cast %add3A_28 : i32 to index
    %get3A_30 = memref.load %arg2[%get3A_29] : memref<4096xi32, #tpu.memory_space<smem>>
    %mul3A_31 = arith.constant 16 : i32
    %mul3A_32 = arith.muli %arg0, %mul3A_31 : i32
    %add3A_33 = arith.constant 4 : i32
    %add3A_34 = arith.addi %mul3A_32, %add3A_33 : i32
    %get3A_35 = arith.index_cast %add3A_34 : i32 to index
    %get3A_36 = memref.load %arg2[%get3A_35] : memref<4096xi32, #tpu.memory_space<smem>>
    %mul3A_37 = arith.constant 16 : i32
    %mul3A_38 = arith.muli %arg0, %mul3A_37 : i32
    %add3A_39 = arith.constant 5 : i32
    %add3A_40 = arith.addi %mul3A_38, %add3A_39 : i32
    %get3A_41 = arith.index_cast %add3A_40 : i32 to index
    %get3A_42 = memref.load %arg2[%get3A_41] : memref<4096xi32, #tpu.memory_space<smem>>
    %mul3A_43 = arith.constant 16 : i32
    %mul3A_44 = arith.muli %arg0, %mul3A_43 : i32
    %add3A_45 = arith.constant 6 : i32
    %add3A_46 = arith.addi %mul3A_44, %add3A_45 : i32
    %get3A_47 = arith.index_cast %add3A_46 : i32 to index
    %get3A_48 = memref.load %arg2[%get3A_47] : memref<4096xi32, #tpu.memory_space<smem>>
    %mul3A_49 = arith.constant 16 : i32
    %mul3A_50 = arith.muli %arg0, %mul3A_49 : i32
    %add3A_51 = arith.constant 7 : i32
    %add3A_52 = arith.addi %mul3A_50, %add3A_51 : i32
    %get3A_53 = arith.index_cast %add3A_52 : i32 to index
    %get3A_54 = memref.load %arg2[%get3A_53] : memref<4096xi32, #tpu.memory_space<smem>>
    %mul3A_55 = arith.constant 16 : i32
    %mul3A_56 = arith.muli %arg0, %mul3A_55 : i32
    %add3A_57 = arith.constant 8 : i32
    %add3A_58 = arith.addi %mul3A_56, %add3A_57 : i32
    %get3A_59 = arith.index_cast %add3A_58 : i32 to index
    %get3A_60 = memref.load %arg2[%get3A_59] : memref<4096xi32, #tpu.memory_space<smem>>
    %mul3A_61 = arith.constant 16 : i32
    %mul3A_62 = arith.muli %arg0, %mul3A_61 : i32
    %add3A_63 = arith.constant 9 : i32
    %add3A_64 = arith.addi %mul3A_62, %add3A_63 : i32
    %get3A_65 = arith.index_cast %add3A_64 : i32 to index
    %get3A_66 = memref.load %arg2[%get3A_65] : memref<4096xi32, #tpu.memory_space<smem>>
    %mul3A_67 = arith.constant 16 : i32
    %mul3A_68 = arith.muli %arg0, %mul3A_67 : i32
    %add3A_69 = arith.constant 10 : i32
    %add3A_70 = arith.addi %mul3A_68, %add3A_69 : i32
    %get3A_71 = arith.index_cast %add3A_70 : i32 to index
    %get3A_72 = memref.load %arg2[%get3A_71] : memref<4096xi32, #tpu.memory_space<smem>>
    %mul3A_73 = arith.constant 16 : i32
    %mul3A_74 = arith.muli %arg0, %mul3A_73 : i32
    %add3A_75 = arith.constant 11 : i32
    %add3A_76 = arith.addi %mul3A_74, %add3A_75 : i32
    %get3A_77 = arith.index_cast %add3A_76 : i32 to index
    %get3A_78 = memref.load %arg2[%get3A_77] : memref<4096xi32, #tpu.memory_space<smem>>
    %mul3A_79 = arith.constant 16 : i32
    %mul3A_80 = arith.muli %arg0, %mul3A_79 : i32
    %add3A_81 = arith.constant 12 : i32
    %add3A_82 = arith.addi %mul3A_80, %add3A_81 : i32
    %get3A_83 = arith.index_cast %add3A_82 : i32 to index
    %get3A_84 = memref.load %arg2[%get3A_83] : memref<4096xi32, #tpu.memory_space<smem>>
    %mul3A_85 = arith.constant 16 : i32
    %mul3A_86 = arith.muli %arg0, %mul3A_85 : i32
    %add3A_87 = arith.constant 13 : i32
    %add3A_88 = arith.addi %mul3A_86, %add3A_87 : i32
    %get3A_89 = arith.index_cast %add3A_88 : i32 to index
    %get3A_90 = memref.load %arg2[%get3A_89] : memref<4096xi32, #tpu.memory_space<smem>>
    %mul3A_91 = arith.constant 16 : i32
    %mul3A_92 = arith.muli %arg0, %mul3A_91 : i32
    %add3A_93 = arith.constant 14 : i32
    %add3A_94 = arith.addi %mul3A_92, %add3A_93 : i32
    %get3A_95 = arith.index_cast %add3A_94 : i32 to index
    %get3A_96 = memref.load %arg2[%get3A_95] : memref<4096xi32, #tpu.memory_space<smem>>
    %mul3A_97 = arith.constant 16 : i32
    %mul3A_98 = arith.muli %arg0, %mul3A_97 : i32
    %add3A_99 = arith.constant 15 : i32
    %add3A_100 = arith.addi %mul3A_98, %add3A_99 : i32
    %get3A_101 = arith.index_cast %add3A_100 : i32 to index
    %get3A_102 = memref.load %arg2[%get3A_101] : memref<4096xi32, #tpu.memory_space<smem>>
    %mul3A_103 = arith.constant 16 : i32
    %mul3A_104 = arith.muli %arg0, %mul3A_103 : i32
    %add3A_105 = arith.constant 0 : i32
    %add3A_106 = arith.addi %mul3A_104, %add3A_105 : i32
    %get3A_107 = arith.index_cast %add3A_106 : i32 to index
    %get3A_108 = memref.load %arg1[%get3A_107] : memref<4096xi32, #tpu.memory_space<smem>>
    %mul3A_109 = arith.constant 16 : i32
    %mul3A_110 = arith.muli %arg0, %mul3A_109 : i32
    %add3A_111 = arith.constant 1 : i32
    %add3A_112 = arith.addi %mul3A_110, %add3A_111 : i32
    %get3A_113 = arith.index_cast %add3A_112 : i32 to index
    %get3A_114 = memref.load %arg1[%get3A_113] : memref<4096xi32, #tpu.memory_space<smem>>
    %mul3A_115 = arith.constant 16 : i32
    %mul3A_116 = arith.muli %arg0, %mul3A_115 : i32
    %add3A_117 = arith.constant 2 : i32
    %add3A_118 = arith.addi %mul3A_116, %add3A_117 : i32
    %get3A_119 = arith.index_cast %add3A_118 : i32 to index
    %get3A_120 = memref.load %arg1[%get3A_119] : memref<4096xi32, #tpu.memory_space<smem>>
    %mul3A_121 = arith.constant 16 : i32
    %mul3A_122 = arith.muli %arg0, %mul3A_121 : i32
    %add3A_123 = arith.constant 3 : i32
    %add3A_124 = arith.addi %mul3A_122, %add3A_123 : i32
    %get3A_125 = arith.index_cast %add3A_124 : i32 to index
    %get3A_126 = memref.load %arg1[%get3A_125] : memref<4096xi32, #tpu.memory_space<smem>>
    %mul3A_127 = arith.constant 16 : i32
    %mul3A_128 = arith.muli %arg0, %mul3A_127 : i32
    %add3A_129 = arith.constant 4 : i32
    %add3A_130 = arith.addi %mul3A_128, %add3A_129 : i32
    %get3A_131 = arith.index_cast %add3A_130 : i32 to index
    %get3A_132 = memref.load %arg1[%get3A_131] : memref<4096xi32, #tpu.memory_space<smem>>
    %mul3A_133 = arith.constant 16 : i32
    %mul3A_134 = arith.muli %arg0, %mul3A_133 : i32
    %add3A_135 = arith.constant 5 : i32
    %add3A_136 = arith.addi %mul3A_134, %add3A_135 : i32
    %get3A_137 = arith.index_cast %add3A_136 : i32 to index
    %get3A_138 = memref.load %arg1[%get3A_137] : memref<4096xi32, #tpu.memory_space<smem>>
    %mul3A_139 = arith.constant 16 : i32
    %mul3A_140 = arith.muli %arg0, %mul3A_139 : i32
    %add3A_141 = arith.constant 6 : i32
    %add3A_142 = arith.addi %mul3A_140, %add3A_141 : i32
    %get3A_143 = arith.index_cast %add3A_142 : i32 to index
    %get3A_144 = memref.load %arg1[%get3A_143] : memref<4096xi32, #tpu.memory_space<smem>>
    %mul3A_145 = arith.constant 16 : i32
    %mul3A_146 = arith.muli %arg0, %mul3A_145 : i32
    %add3A_147 = arith.constant 7 : i32
    %add3A_148 = arith.addi %mul3A_146, %add3A_147 : i32
    %get3A_149 = arith.index_cast %add3A_148 : i32 to index
    %get3A_150 = memref.load %arg1[%get3A_149] : memref<4096xi32, #tpu.memory_space<smem>>
    %mul3A_151 = arith.constant 16 : i32
    %mul3A_152 = arith.muli %arg0, %mul3A_151 : i32
    %add3A_153 = arith.constant 8 : i32
    %add3A_154 = arith.addi %mul3A_152, %add3A_153 : i32
    %get3A_155 = arith.index_cast %add3A_154 : i32 to index
    %get3A_156 = memref.load %arg1[%get3A_155] : memref<4096xi32, #tpu.memory_space<smem>>
    %mul3A_157 = arith.constant 16 : i32
    %mul3A_158 = arith.muli %arg0, %mul3A_157 : i32
    %add3A_159 = arith.constant 9 : i32
    %add3A_160 = arith.addi %mul3A_158, %add3A_159 : i32
    %get3A_161 = arith.index_cast %add3A_160 : i32 to index
    %get3A_162 = memref.load %arg1[%get3A_161] : memref<4096xi32, #tpu.memory_space<smem>>
    %mul3A_163 = arith.constant 16 : i32
    %mul3A_164 = arith.muli %arg0, %mul3A_163 : i32
    %add3A_165 = arith.constant 10 : i32
    %add3A_166 = arith.addi %mul3A_164, %add3A_165 : i32
    %get3A_167 = arith.index_cast %add3A_166 : i32 to index
    %get3A_168 = memref.load %arg1[%get3A_167] : memref<4096xi32, #tpu.memory_space<smem>>
    %mul3A_169 = arith.constant 16 : i32
    %mul3A_170 = arith.muli %arg0, %mul3A_169 : i32
    %add3A_171 = arith.constant 11 : i32
    %add3A_172 = arith.addi %mul3A_170, %add3A_171 : i32
    %get3A_173 = arith.index_cast %add3A_172 : i32 to index
    %get3A_174 = memref.load %arg1[%get3A_173] : memref<4096xi32, #tpu.memory_space<smem>>
    %mul3A_175 = arith.constant 16 : i32
    %mul3A_176 = arith.muli %arg0, %mul3A_175 : i32
    %add3A_177 = arith.constant 12 : i32
    %add3A_178 = arith.addi %mul3A_176, %add3A_177 : i32
    %get3A_179 = arith.index_cast %add3A_178 : i32 to index
    %get3A_180 = memref.load %arg1[%get3A_179] : memref<4096xi32, #tpu.memory_space<smem>>
    %mul3A_181 = arith.constant 16 : i32
    %mul3A_182 = arith.muli %arg0, %mul3A_181 : i32
    %add3A_183 = arith.constant 13 : i32
    %add3A_184 = arith.addi %mul3A_182, %add3A_183 : i32
    %get3A_185 = arith.index_cast %add3A_184 : i32 to index
    %get3A_186 = memref.load %arg1[%get3A_185] : memref<4096xi32, #tpu.memory_space<smem>>
    %mul3A_187 = arith.constant 16 : i32
    %mul3A_188 = arith.muli %arg0, %mul3A_187 : i32
    %add3A_189 = arith.constant 14 : i32
    %add3A_190 = arith.addi %mul3A_188, %add3A_189 : i32
    %get3A_191 = arith.index_cast %add3A_190 : i32 to index
    %get3A_192 = memref.load %arg1[%get3A_191] : memref<4096xi32, #tpu.memory_space<smem>>
    %mul3A_193 = arith.constant 16 : i32
    %mul3A_194 = arith.muli %arg0, %mul3A_193 : i32
    %add3A_195 = arith.constant 15 : i32
    %add3A_196 = arith.addi %mul3A_194, %add3A_195 : i32
    %get3A_197 = arith.index_cast %add3A_196 : i32 to index
    %get3A_198 = memref.load %arg1[%get3A_197] : memref<4096xi32, #tpu.memory_space<smem>>
    %eq3A_199 = arith.constant 14 : i32
    %eq3A_200 = vector.broadcast %eq3A_199 : i32 to vector<16x8x1xi32>
    %eq3A_201 = arith.cmpi eq, %iota3A_7, %eq3A_200 : vector<16x8x1xi32>
    %broadcast_in_dim3A = vector.broadcast %get3A_96 : i32 to vector<16x8x1xi32>
    %broadcast_in_dim3A_202 = vector.broadcast %get3A_102 : i32 to vector<16x8x1xi32>
    %select_n3A = arith.select %eq3A_201, %broadcast_in_dim3A, %broadcast_in_dim3A_202 : vector<16x8x1xi1>, vector<16x8x1xi32>
    %eq3A_203 = arith.constant 14 : i32
    %eq3A_204 = vector.broadcast %eq3A_203 : i32 to vector<16x8x1xi32>
    %eq3A_205 = arith.cmpi eq, %iota3A_7, %eq3A_204 : vector<16x8x1xi32>
    %broadcast_in_dim3A_206 = vector.broadcast %get3A_192 : i32 to vector<16x8x1xi32>
    %broadcast_in_dim3A_207 = vector.broadcast %get3A_198 : i32 to vector<16x8x1xi32>
    %select_n3A_208 = arith.select %eq3A_205, %broadcast_in_dim3A_206, %broadcast_in_dim3A_207 : vector<16x8x1xi1>, vector<16x8x1xi32>
    %max3A = arith.maxsi %get3A_198, %get3A_192 : i32
    %eq3A_209 = arith.constant 13 : i32
    %eq3A_210 = vector.broadcast %eq3A_209 : i32 to vector<16x8x1xi32>
    %eq3A_211 = arith.cmpi eq, %iota3A_7, %eq3A_210 : vector<16x8x1xi32>
    %broadcast_in_dim3A_212 = vector.broadcast %get3A_90 : i32 to vector<16x8x1xi32>
    %select_n3A_213 = arith.select %eq3A_211, %broadcast_in_dim3A_212, %select_n3A : vector<16x8x1xi1>, vector<16x8x1xi32>
    %eq3A_214 = arith.constant 13 : i32
    %eq3A_215 = vector.broadcast %eq3A_214 : i32 to vector<16x8x1xi32>
    %eq3A_216 = arith.cmpi eq, %iota3A_7, %eq3A_215 : vector<16x8x1xi32>
    %broadcast_in_dim3A_217 = vector.broadcast %get3A_186 : i32 to vector<16x8x1xi32>
    %select_n3A_218 = arith.select %eq3A_216, %broadcast_in_dim3A_217, %select_n3A_208 : vector<16x8x1xi1>, vector<16x8x1xi32>
    %max3A_219 = arith.maxsi %max3A, %get3A_186 : i32
    %eq3A_220 = arith.constant 12 : i32
    %eq3A_221 = vector.broadcast %eq3A_220 : i32 to vector<16x8x1xi32>
    %eq3A_222 = arith.cmpi eq, %iota3A_7, %eq3A_221 : vector<16x8x1xi32>
    %broadcast_in_dim3A_223 = vector.broadcast %get3A_84 : i32 to vector<16x8x1xi32>
    %select_n3A_224 = arith.select %eq3A_222, %broadcast_in_dim3A_223, %select_n3A_213 : vector<16x8x1xi1>, vector<16x8x1xi32>
    %eq3A_225 = arith.constant 12 : i32
    %eq3A_226 = vector.broadcast %eq3A_225 : i32 to vector<16x8x1xi32>
    %eq3A_227 = arith.cmpi eq, %iota3A_7, %eq3A_226 : vector<16x8x1xi32>
    %broadcast_in_dim3A_228 = vector.broadcast %get3A_180 : i32 to vector<16x8x1xi32>
    %select_n3A_229 = arith.select %eq3A_227, %broadcast_in_dim3A_228, %select_n3A_218 : vector<16x8x1xi1>, vector<16x8x1xi32>
    %max3A_230 = arith.maxsi %max3A_219, %get3A_180 : i32
    %eq3A_231 = arith.constant 11 : i32
    %eq3A_232 = vector.broadcast %eq3A_231 : i32 to vector<16x8x1xi32>
    %eq3A_233 = arith.cmpi eq, %iota3A_7, %eq3A_232 : vector<16x8x1xi32>
    %broadcast_in_dim3A_234 = vector.broadcast %get3A_78 : i32 to vector<16x8x1xi32>
    %select_n3A_235 = arith.select %eq3A_233, %broadcast_in_dim3A_234, %select_n3A_224 : vector<16x8x1xi1>, vector<16x8x1xi32>
    %eq3A_236 = arith.constant 11 : i32
    %eq3A_237 = vector.broadcast %eq3A_236 : i32 to vector<16x8x1xi32>
    %eq3A_238 = arith.cmpi eq, %iota3A_7, %eq3A_237 : vector<16x8x1xi32>
    %broadcast_in_dim3A_239 = vector.broadcast %get3A_174 : i32 to vector<16x8x1xi32>
    %select_n3A_240 = arith.select %eq3A_238, %broadcast_in_dim3A_239, %select_n3A_229 : vector<16x8x1xi1>, vector<16x8x1xi32>
    %max3A_241 = arith.maxsi %max3A_230, %get3A_174 : i32
    %eq3A_242 = arith.constant 10 : i32
    %eq3A_243 = vector.broadcast %eq3A_242 : i32 to vector<16x8x1xi32>
    %eq3A_244 = arith.cmpi eq, %iota3A_7, %eq3A_243 : vector<16x8x1xi32>
    %broadcast_in_dim3A_245 = vector.broadcast %get3A_72 : i32 to vector<16x8x1xi32>
    %select_n3A_246 = arith.select %eq3A_244, %broadcast_in_dim3A_245, %select_n3A_235 : vector<16x8x1xi1>, vector<16x8x1xi32>
    %eq3A_247 = arith.constant 10 : i32
    %eq3A_248 = vector.broadcast %eq3A_247 : i32 to vector<16x8x1xi32>
    %eq3A_249 = arith.cmpi eq, %iota3A_7, %eq3A_248 : vector<16x8x1xi32>
    %broadcast_in_dim3A_250 = vector.broadcast %get3A_168 : i32 to vector<16x8x1xi32>
    %select_n3A_251 = arith.select %eq3A_249, %broadcast_in_dim3A_250, %select_n3A_240 : vector<16x8x1xi1>, vector<16x8x1xi32>
    %max3A_252 = arith.maxsi %max3A_241, %get3A_168 : i32
    %eq3A_253 = arith.constant 9 : i32
    %eq3A_254 = vector.broadcast %eq3A_253 : i32 to vector<16x8x1xi32>
    %eq3A_255 = arith.cmpi eq, %iota3A_7, %eq3A_254 : vector<16x8x1xi32>
    %broadcast_in_dim3A_256 = vector.broadcast %get3A_66 : i32 to vector<16x8x1xi32>
    %select_n3A_257 = arith.select %eq3A_255, %broadcast_in_dim3A_256, %select_n3A_246 : vector<16x8x1xi1>, vector<16x8x1xi32>
    %eq3A_258 = arith.constant 9 : i32
    %eq3A_259 = vector.broadcast %eq3A_258 : i32 to vector<16x8x1xi32>
    %eq3A_260 = arith.cmpi eq, %iota3A_7, %eq3A_259 : vector<16x8x1xi32>
    %broadcast_in_dim3A_261 = vector.broadcast %get3A_162 : i32 to vector<16x8x1xi32>
    %select_n3A_262 = arith.select %eq3A_260, %broadcast_in_dim3A_261, %select_n3A_251 : vector<16x8x1xi1>, vector<16x8x1xi32>
    %max3A_263 = arith.maxsi %max3A_252, %get3A_162 : i32
    %eq3A_264 = arith.constant 8 : i32
    %eq3A_265 = vector.broadcast %eq3A_264 : i32 to vector<16x8x1xi32>
    %eq3A_266 = arith.cmpi eq, %iota3A_7, %eq3A_265 : vector<16x8x1xi32>
    %broadcast_in_dim3A_267 = vector.broadcast %get3A_60 : i32 to vector<16x8x1xi32>
    %select_n3A_268 = arith.select %eq3A_266, %broadcast_in_dim3A_267, %select_n3A_257 : vector<16x8x1xi1>, vector<16x8x1xi32>
    %eq3A_269 = arith.constant 8 : i32
    %eq3A_270 = vector.broadcast %eq3A_269 : i32 to vector<16x8x1xi32>
    %eq3A_271 = arith.cmpi eq, %iota3A_7, %eq3A_270 : vector<16x8x1xi32>
    %broadcast_in_dim3A_272 = vector.broadcast %get3A_156 : i32 to vector<16x8x1xi32>
    %select_n3A_273 = arith.select %eq3A_271, %broadcast_in_dim3A_272, %select_n3A_262 : vector<16x8x1xi1>, vector<16x8x1xi32>
    %max3A_274 = arith.maxsi %max3A_263, %get3A_156 : i32
    %eq3A_275 = arith.constant 7 : i32
    %eq3A_276 = vector.broadcast %eq3A_275 : i32 to vector<16x8x1xi32>
    %eq3A_277 = arith.cmpi eq, %iota3A_7, %eq3A_276 : vector<16x8x1xi32>
    %broadcast_in_dim3A_278 = vector.broadcast %get3A_54 : i32 to vector<16x8x1xi32>
    %select_n3A_279 = arith.select %eq3A_277, %broadcast_in_dim3A_278, %select_n3A_268 : vector<16x8x1xi1>, vector<16x8x1xi32>
    %eq3A_280 = arith.constant 7 : i32
    %eq3A_281 = vector.broadcast %eq3A_280 : i32 to vector<16x8x1xi32>
    %eq3A_282 = arith.cmpi eq, %iota3A_7, %eq3A_281 : vector<16x8x1xi32>
    %broadcast_in_dim3A_283 = vector.broadcast %get3A_150 : i32 to vector<16x8x1xi32>
    %select_n3A_284 = arith.select %eq3A_282, %broadcast_in_dim3A_283, %select_n3A_273 : vector<16x8x1xi1>, vector<16x8x1xi32>
    %max3A_285 = arith.maxsi %max3A_274, %get3A_150 : i32
    %eq3A_286 = arith.constant 6 : i32
    %eq3A_287 = vector.broadcast %eq3A_286 : i32 to vector<16x8x1xi32>
    %eq3A_288 = arith.cmpi eq, %iota3A_7, %eq3A_287 : vector<16x8x1xi32>
    %broadcast_in_dim3A_289 = vector.broadcast %get3A_48 : i32 to vector<16x8x1xi32>
    %select_n3A_290 = arith.select %eq3A_288, %broadcast_in_dim3A_289, %select_n3A_279 : vector<16x8x1xi1>, vector<16x8x1xi32>
    %eq3A_291 = arith.constant 6 : i32
    %eq3A_292 = vector.broadcast %eq3A_291 : i32 to vector<16x8x1xi32>
    %eq3A_293 = arith.cmpi eq, %iota3A_7, %eq3A_292 : vector<16x8x1xi32>
    %broadcast_in_dim3A_294 = vector.broadcast %get3A_144 : i32 to vector<16x8x1xi32>
    %select_n3A_295 = arith.select %eq3A_293, %broadcast_in_dim3A_294, %select_n3A_284 : vector<16x8x1xi1>, vector<16x8x1xi32>
    %max3A_296 = arith.maxsi %max3A_285, %get3A_144 : i32
    %eq3A_297 = arith.constant 5 : i32
    %eq3A_298 = vector.broadcast %eq3A_297 : i32 to vector<16x8x1xi32>
    %eq3A_299 = arith.cmpi eq, %iota3A_7, %eq3A_298 : vector<16x8x1xi32>
    %broadcast_in_dim3A_300 = vector.broadcast %get3A_42 : i32 to vector<16x8x1xi32>
    %select_n3A_301 = arith.select %eq3A_299, %broadcast_in_dim3A_300, %select_n3A_290 : vector<16x8x1xi1>, vector<16x8x1xi32>
    %eq3A_302 = arith.constant 5 : i32
    %eq3A_303 = vector.broadcast %eq3A_302 : i32 to vector<16x8x1xi32>
    %eq3A_304 = arith.cmpi eq, %iota3A_7, %eq3A_303 : vector<16x8x1xi32>
    %broadcast_in_dim3A_305 = vector.broadcast %get3A_138 : i32 to vector<16x8x1xi32>
    %select_n3A_306 = arith.select %eq3A_304, %broadcast_in_dim3A_305, %select_n3A_295 : vector<16x8x1xi1>, vector<16x8x1xi32>
    %max3A_307 = arith.maxsi %max3A_296, %get3A_138 : i32
    %eq3A_308 = arith.constant 4 : i32
    %eq3A_309 = vector.broadcast %eq3A_308 : i32 to vector<16x8x1xi32>
    %eq3A_310 = arith.cmpi eq, %iota3A_7, %eq3A_309 : vector<16x8x1xi32>
    %broadcast_in_dim3A_311 = vector.broadcast %get3A_36 : i32 to vector<16x8x1xi32>
    %select_n3A_312 = arith.select %eq3A_310, %broadcast_in_dim3A_311, %select_n3A_301 : vector<16x8x1xi1>, vector<16x8x1xi32>
    %eq3A_313 = arith.constant 4 : i32
    %eq3A_314 = vector.broadcast %eq3A_313 : i32 to vector<16x8x1xi32>
    %eq3A_315 = arith.cmpi eq, %iota3A_7, %eq3A_314 : vector<16x8x1xi32>
    %broadcast_in_dim3A_316 = vector.broadcast %get3A_132 : i32 to vector<16x8x1xi32>
    %select_n3A_317 = arith.select %eq3A_315, %broadcast_in_dim3A_316, %select_n3A_306 : vector<16x8x1xi1>, vector<16x8x1xi32>
    %max3A_318 = arith.maxsi %max3A_307, %get3A_132 : i32
    %eq3A_319 = arith.constant 3 : i32
    %eq3A_320 = vector.broadcast %eq3A_319 : i32 to vector<16x8x1xi32>
    %eq3A_321 = arith.cmpi eq, %iota3A_7, %eq3A_320 : vector<16x8x1xi32>
    %broadcast_in_dim3A_322 = vector.broadcast %get3A_30 : i32 to vector<16x8x1xi32>
    %select_n3A_323 = arith.select %eq3A_321, %broadcast_in_dim3A_322, %select_n3A_312 : vector<16x8x1xi1>, vector<16x8x1xi32>
    %eq3A_324 = arith.constant 3 : i32
    %eq3A_325 = vector.broadcast %eq3A_324 : i32 to vector<16x8x1xi32>
    %eq3A_326 = arith.cmpi eq, %iota3A_7, %eq3A_325 : vector<16x8x1xi32>
    %broadcast_in_dim3A_327 = vector.broadcast %get3A_126 : i32 to vector<16x8x1xi32>
    %select_n3A_328 = arith.select %eq3A_326, %broadcast_in_dim3A_327, %select_n3A_317 : vector<16x8x1xi1>, vector<16x8x1xi32>
    %max3A_329 = arith.maxsi %max3A_318, %get3A_126 : i32
    %eq3A_330 = arith.constant 2 : i32
    %eq3A_331 = vector.broadcast %eq3A_330 : i32 to vector<16x8x1xi32>
    %eq3A_332 = arith.cmpi eq, %iota3A_7, %eq3A_331 : vector<16x8x1xi32>
    %broadcast_in_dim3A_333 = vector.broadcast %get3A_24 : i32 to vector<16x8x1xi32>
    %select_n3A_334 = arith.select %eq3A_332, %broadcast_in_dim3A_333, %select_n3A_323 : vector<16x8x1xi1>, vector<16x8x1xi32>
    %eq3A_335 = arith.constant 2 : i32
    %eq3A_336 = vector.broadcast %eq3A_335 : i32 to vector<16x8x1xi32>
    %eq3A_337 = arith.cmpi eq, %iota3A_7, %eq3A_336 : vector<16x8x1xi32>
    %broadcast_in_dim3A_338 = vector.broadcast %get3A_120 : i32 to vector<16x8x1xi32>
    %select_n3A_339 = arith.select %eq3A_337, %broadcast_in_dim3A_338, %select_n3A_328 : vector<16x8x1xi1>, vector<16x8x1xi32>
    %max3A_340 = arith.maxsi %max3A_329, %get3A_120 : i32
    %eq3A_341 = arith.constant 1 : i32
    %eq3A_342 = vector.broadcast %eq3A_341 : i32 to vector<16x8x1xi32>
    %eq3A_343 = arith.cmpi eq, %iota3A_7, %eq3A_342 : vector<16x8x1xi32>
    %broadcast_in_dim3A_344 = vector.broadcast %get3A_18 : i32 to vector<16x8x1xi32>
    %select_n3A_345 = arith.select %eq3A_343, %broadcast_in_dim3A_344, %select_n3A_334 : vector<16x8x1xi1>, vector<16x8x1xi32>
    %eq3A_346 = arith.constant 1 : i32
    %eq3A_347 = vector.broadcast %eq3A_346 : i32 to vector<16x8x1xi32>
    %eq3A_348 = arith.cmpi eq, %iota3A_7, %eq3A_347 : vector<16x8x1xi32>
    %broadcast_in_dim3A_349 = vector.broadcast %get3A_114 : i32 to vector<16x8x1xi32>
    %select_n3A_350 = arith.select %eq3A_348, %broadcast_in_dim3A_349, %select_n3A_339 : vector<16x8x1xi1>, vector<16x8x1xi32>
    %max3A_351 = arith.maxsi %max3A_340, %get3A_114 : i32
    %eq3A_352 = arith.constant 0 : i32
    %eq3A_353 = vector.broadcast %eq3A_352 : i32 to vector<16x8x1xi32>
    %eq3A_354 = arith.cmpi eq, %iota3A_7, %eq3A_353 : vector<16x8x1xi32>
    %broadcast_in_dim3A_355 = vector.broadcast %get3A_12 : i32 to vector<16x8x1xi32>
    %select_n3A_356 = arith.select %eq3A_354, %broadcast_in_dim3A_355, %select_n3A_345 : vector<16x8x1xi1>, vector<16x8x1xi32>
    %eq3A_357 = arith.constant 0 : i32
    %eq3A_358 = vector.broadcast %eq3A_357 : i32 to vector<16x8x1xi32>
    %eq3A_359 = arith.cmpi eq, %iota3A_7, %eq3A_358 : vector<16x8x1xi32>
    %broadcast_in_dim3A_360 = vector.broadcast %get3A_108 : i32 to vector<16x8x1xi32>
    %select_n3A_361 = arith.select %eq3A_359, %broadcast_in_dim3A_360, %select_n3A_350 : vector<16x8x1xi1>, vector<16x8x1xi32>
    %max3A_362 = arith.maxsi %max3A_351, %get3A_108 : i32
    %mul3A_363 = arith.constant 102400 : i32
    %mul3A_364 = vector.broadcast %mul3A_363 : i32 to vector<16x8x1xi32>
    %mul3A_365 = arith.muli %select_n3A_356, %mul3A_364 : vector<16x8x1xi32>
    %mul3A_366 = arith.constant 1024 : i32
    %mul3A_367 = vector.broadcast %mul3A_366 : i32 to vector<16x8x1xi32>
    %mul3A_368 = arith.muli %iota3A_8, %mul3A_367 : vector<16x8x1xi32>
    %add3A_369 = arith.addi %mul3A_365, %mul3A_368 : vector<16x8x1xi32>
    %add3A_370 = arith.constant 42 : i32
    %add3A_371 = vector.broadcast %add3A_370 : i32 to vector<16x8x1xi32>
    %add3A_372 = arith.addi %add3A_369, %add3A_371 : vector<16x8x1xi32>
    %add3A_373 = arith.constant 7 : i32
    %add3A_374 = arith.addi %max3A_362, %add3A_373 : i32
    %jit3A = arith.constant 8 : i32
    %div3A_375 = arith.divsi %add3A_374, %jit3A : i32
    %sign3A = arith.constant 0 : i32
    %sign3A_376 = arith.cmpi sgt, %add3A_374, %sign3A : i32
    %sign3A_377 = arith.extui %sign3A_376 : i1 to i32
    %sign3A_378 = arith.constant 0 : i32
    %sign3A_379 = arith.cmpi slt, %add3A_374, %sign3A_378 : i32
    %sign3A_380 = arith.extui %sign3A_379 : i1 to i32
    %sign3A_381 = arith.subi %sign3A_377, %sign3A_380 : i32
    %sign3A_382 = arith.constant 0 : i32
    %sign3A_383 = arith.cmpi sgt, %jit3A, %sign3A_382 : i32
    %sign3A_384 = arith.extui %sign3A_383 : i1 to i32
    %sign3A_385 = arith.constant 0 : i32
    %sign3A_386 = arith.cmpi slt, %jit3A, %sign3A_385 : i32
    %sign3A_387 = arith.extui %sign3A_386 : i1 to i32
    %sign3A_388 = arith.subi %sign3A_384, %sign3A_387 : i32
    %ne3A = arith.cmpi ne, %sign3A_381, %sign3A_388 : i32
    %rem3A = arith.remsi %add3A_374, %jit3A : i32
    %ne3A_389 = arith.constant 0 : i32
    %ne3A_390 = arith.cmpi ne, %rem3A, %ne3A_389 : i32
    %and3A = arith.andi %ne3A, %ne3A_390 : i1
    %sub3A = arith.constant 1 : i32
    %sub3A_391 = arith.subi %div3A_375, %sub3A : i32
    %select_n3A_392 = arith.select %and3A, %sub3A_391, %div3A_375 : i32
    %broadcast_in_dim3A_393 = arith.constant 0.000000e+00 : f32
    %broadcast_in_dim3A_394 = vector.broadcast %broadcast_in_dim3A_393 : f32 to vector<16x8x1024xf32>
    %while3A = arith.constant 0 : i32
    %while3A_395 = arith.subi %select_n3A_392, %while3A : i32
    %while3A_396 = arith.addi %while3A, %while3A_395 : i32
    %while3A_397 = arith.constant 1 : i32
    %while3A_398 = arith.divsi %while3A_395, %while3A_397 : i32
    %while3A_399 = arith.muli %while3A_398, %while3A_397 : i32
    %while3A_400 = arith.addi %while3A, %while3A_399 : i32
    %while3A_401 = arith.constant 1 : i32
    %while3A_402 = scf.for %while3A_464 = %while3A to %while3A_400 step %while3A_401 iter_args(%while3A_465 = %broadcast_in_dim3A_394) -> (vector<16x8x1024xf32>)  : i32 {
      %mul3A_466 = arith.constant 8192 : i32
      %mul3A_467 = arith.muli %while3A_464, %mul3A_466 : i32
      %add3A_468 = vector.broadcast %mul3A_467 : i32 to vector<16x8x1xi32>
      %add3A_469 = arith.addi %add3A_372, %add3A_468 : vector<16x8x1xi32>
      %add3A_470 = vector.broadcast %add3A_469 : vector<16x8x1xi32> to vector<16x8x1024xi32>
      %add3A_471 = vector.broadcast %iota3A : vector<1x1x1024xi32> to vector<16x8x1024xi32>
      %add3A_472 = arith.addi %add3A_470, %add3A_471 : vector<16x8x1024xi32>
      %shift_left3A = arith.constant 13 : i32
      %shift_left3A_473 = vector.broadcast %shift_left3A : i32 to vector<16x8x1024xi32>
      %shift_left3A_474 = arith.shli %add3A_472, %shift_left3A_473 : vector<16x8x1024xi32>
      %shift_right_logical3A = arith.constant 19 : i32
      %shift_right_logical3A_475 = vector.broadcast %shift_right_logical3A : i32 to vector<16x8x1024xi32>
      %shift_right_logical3A_476 = arith.shrui %add3A_472, %shift_right_logical3A_475 : vector<16x8x1024xi32>
      %or3A = arith.ori %shift_left3A_474, %shift_right_logical3A_476 : vector<16x8x1024xi32>
      %xor3A = arith.xori %add3A_472, %or3A : vector<16x8x1024xi32>
      %add3A_477 = arith.addi %add3A_472, %xor3A : vector<16x8x1024xi32>
      %shift_left3A_478 = arith.constant 15 : i32
      %shift_left3A_479 = vector.broadcast %shift_left3A_478 : i32 to vector<16x8x1024xi32>
      %shift_left3A_480 = arith.shli %xor3A, %shift_left3A_479 : vector<16x8x1024xi32>
      %shift_right_logical3A_481 = arith.constant 17 : i32
      %shift_right_logical3A_482 = vector.broadcast %shift_right_logical3A_481 : i32 to vector<16x8x1024xi32>
      %shift_right_logical3A_483 = arith.shrui %xor3A, %shift_right_logical3A_482 : vector<16x8x1024xi32>
      %or3A_484 = arith.ori %shift_left3A_480, %shift_right_logical3A_483 : vector<16x8x1024xi32>
      %xor3A_485 = arith.xori %add3A_477, %or3A_484 : vector<16x8x1024xi32>
      %add3A_486 = arith.addi %add3A_477, %xor3A_485 : vector<16x8x1024xi32>
      %shift_left3A_487 = arith.constant 26 : i32
      %shift_left3A_488 = vector.broadcast %shift_left3A_487 : i32 to vector<16x8x1024xi32>
      %shift_left3A_489 = arith.shli %xor3A_485, %shift_left3A_488 : vector<16x8x1024xi32>
      %shift_right_logical3A_490 = arith.constant 6 : i32
      %shift_right_logical3A_491 = vector.broadcast %shift_right_logical3A_490 : i32 to vector<16x8x1024xi32>
      %shift_right_logical3A_492 = arith.shrui %xor3A_485, %shift_right_logical3A_491 : vector<16x8x1024xi32>
      %or3A_493 = arith.ori %shift_left3A_489, %shift_right_logical3A_492 : vector<16x8x1024xi32>
      %xor3A_494 = arith.xori %add3A_486, %or3A_493 : vector<16x8x1024xi32>
      %add3A_495 = arith.addi %add3A_486, %xor3A_494 : vector<16x8x1024xi32>
      %shift_left3A_496 = arith.constant 6 : i32
      %shift_left3A_497 = vector.broadcast %shift_left3A_496 : i32 to vector<16x8x1024xi32>
      %shift_left3A_498 = arith.shli %xor3A_494, %shift_left3A_497 : vector<16x8x1024xi32>
      %shift_right_logical3A_499 = arith.constant 26 : i32
      %shift_right_logical3A_500 = vector.broadcast %shift_right_logical3A_499 : i32 to vector<16x8x1024xi32>
      %shift_right_logical3A_501 = arith.shrui %xor3A_494, %shift_right_logical3A_500 : vector<16x8x1024xi32>
      %or3A_502 = arith.ori %shift_left3A_498, %shift_right_logical3A_501 : vector<16x8x1024xi32>
      %xor3A_503 = arith.xori %add3A_495, %or3A_502 : vector<16x8x1024xi32>
      %add3A_504 = arith.constant 42 : i32
      %add3A_505 = vector.broadcast %add3A_504 : i32 to vector<16x8x1024xi32>
      %add3A_506 = arith.addi %add3A_495, %add3A_505 : vector<16x8x1024xi32>
      %add3A_507 = arith.constant 466689008 : i32
      %add3A_508 = vector.broadcast %add3A_507 : i32 to vector<16x8x1024xi32>
      %add3A_509 = arith.addi %xor3A_503, %add3A_508 : vector<16x8x1024xi32>
      %add3A_510 = arith.constant 1 : i32
      %add3A_511 = vector.broadcast %add3A_510 : i32 to vector<16x8x1024xi32>
      %add3A_512 = arith.addi %add3A_509, %add3A_511 : vector<16x8x1024xi32>
      %add3A_513 = arith.addi %add3A_506, %add3A_512 : vector<16x8x1024xi32>
      %shift_left3A_514 = arith.constant 17 : i32
      %shift_left3A_515 = vector.broadcast %shift_left3A_514 : i32 to vector<16x8x1024xi32>
      %shift_left3A_516 = arith.shli %add3A_512, %shift_left3A_515 : vector<16x8x1024xi32>
      %shift_right_logical3A_517 = arith.constant 15 : i32
      %shift_right_logical3A_518 = vector.broadcast %shift_right_logical3A_517 : i32 to vector<16x8x1024xi32>
      %shift_right_logical3A_519 = arith.shrui %add3A_512, %shift_right_logical3A_518 : vector<16x8x1024xi32>
      %or3A_520 = arith.ori %shift_left3A_516, %shift_right_logical3A_519 : vector<16x8x1024xi32>
      %xor3A_521 = arith.xori %add3A_513, %or3A_520 : vector<16x8x1024xi32>
      %add3A_522 = arith.addi %add3A_513, %xor3A_521 : vector<16x8x1024xi32>
      %shift_left3A_523 = arith.constant 29 : i32
      %shift_left3A_524 = vector.broadcast %shift_left3A_523 : i32 to vector<16x8x1024xi32>
      %shift_left3A_525 = arith.shli %xor3A_521, %shift_left3A_524 : vector<16x8x1024xi32>
      %shift_right_logical3A_526 = arith.constant 3 : i32
      %shift_right_logical3A_527 = vector.broadcast %shift_right_logical3A_526 : i32 to vector<16x8x1024xi32>
      %shift_right_logical3A_528 = arith.shrui %xor3A_521, %shift_right_logical3A_527 : vector<16x8x1024xi32>
      %or3A_529 = arith.ori %shift_left3A_525, %shift_right_logical3A_528 : vector<16x8x1024xi32>
      %xor3A_530 = arith.xori %add3A_522, %or3A_529 : vector<16x8x1024xi32>
      %add3A_531 = arith.addi %add3A_522, %xor3A_530 : vector<16x8x1024xi32>
      %shift_left3A_532 = arith.constant 16 : i32
      %shift_left3A_533 = vector.broadcast %shift_left3A_532 : i32 to vector<16x8x1024xi32>
      %shift_left3A_534 = arith.shli %xor3A_530, %shift_left3A_533 : vector<16x8x1024xi32>
      %shift_right_logical3A_535 = arith.constant 16 : i32
      %shift_right_logical3A_536 = vector.broadcast %shift_right_logical3A_535 : i32 to vector<16x8x1024xi32>
      %shift_right_logical3A_537 = arith.shrui %xor3A_530, %shift_right_logical3A_536 : vector<16x8x1024xi32>
      %or3A_538 = arith.ori %shift_left3A_534, %shift_right_logical3A_537 : vector<16x8x1024xi32>
      %xor3A_539 = arith.xori %add3A_531, %or3A_538 : vector<16x8x1024xi32>
      %add3A_540 = arith.addi %add3A_531, %xor3A_539 : vector<16x8x1024xi32>
      %shift_left3A_541 = arith.constant 24 : i32
      %shift_left3A_542 = vector.broadcast %shift_left3A_541 : i32 to vector<16x8x1024xi32>
      %shift_left3A_543 = arith.shli %xor3A_539, %shift_left3A_542 : vector<16x8x1024xi32>
      %shift_right_logical3A_544 = arith.constant 8 : i32
      %shift_right_logical3A_545 = vector.broadcast %shift_right_logical3A_544 : i32 to vector<16x8x1024xi32>
      %shift_right_logical3A_546 = arith.shrui %xor3A_539, %shift_right_logical3A_545 : vector<16x8x1024xi32>
      %or3A_547 = arith.ori %shift_left3A_543, %shift_right_logical3A_546 : vector<16x8x1024xi32>
      %xor3A_548 = arith.xori %add3A_540, %or3A_547 : vector<16x8x1024xi32>
      %add3A_549 = arith.constant 466689008 : i32
      %add3A_550 = vector.broadcast %add3A_549 : i32 to vector<16x8x1024xi32>
      %add3A_551 = arith.addi %add3A_540, %add3A_550 : vector<16x8x1024xi32>
      %add3A_552 = arith.constant 0 : i32
      %add3A_553 = vector.broadcast %add3A_552 : i32 to vector<16x8x1024xi32>
      %add3A_554 = arith.addi %xor3A_548, %add3A_553 : vector<16x8x1024xi32>
      %add3A_555 = arith.constant 2 : i32
      %add3A_556 = vector.broadcast %add3A_555 : i32 to vector<16x8x1024xi32>
      %add3A_557 = arith.addi %add3A_554, %add3A_556 : vector<16x8x1024xi32>
      %add3A_558 = arith.addi %add3A_551, %add3A_557 : vector<16x8x1024xi32>
      %shift_left3A_559 = arith.constant 13 : i32
      %shift_left3A_560 = vector.broadcast %shift_left3A_559 : i32 to vector<16x8x1024xi32>
      %shift_left3A_561 = arith.shli %add3A_557, %shift_left3A_560 : vector<16x8x1024xi32>
      %shift_right_logical3A_562 = arith.constant 19 : i32
      %shift_right_logical3A_563 = vector.broadcast %shift_right_logical3A_562 : i32 to vector<16x8x1024xi32>
      %shift_right_logical3A_564 = arith.shrui %add3A_557, %shift_right_logical3A_563 : vector<16x8x1024xi32>
      %or3A_565 = arith.ori %shift_left3A_561, %shift_right_logical3A_564 : vector<16x8x1024xi32>
      %xor3A_566 = arith.xori %add3A_558, %or3A_565 : vector<16x8x1024xi32>
      %add3A_567 = arith.addi %add3A_558, %xor3A_566 : vector<16x8x1024xi32>
      %shift_left3A_568 = arith.constant 15 : i32
      %shift_left3A_569 = vector.broadcast %shift_left3A_568 : i32 to vector<16x8x1024xi32>
      %shift_left3A_570 = arith.shli %xor3A_566, %shift_left3A_569 : vector<16x8x1024xi32>
      %shift_right_logical3A_571 = arith.constant 17 : i32
      %shift_right_logical3A_572 = vector.broadcast %shift_right_logical3A_571 : i32 to vector<16x8x1024xi32>
      %shift_right_logical3A_573 = arith.shrui %xor3A_566, %shift_right_logical3A_572 : vector<16x8x1024xi32>
      %or3A_574 = arith.ori %shift_left3A_570, %shift_right_logical3A_573 : vector<16x8x1024xi32>
      %xor3A_575 = arith.xori %add3A_567, %or3A_574 : vector<16x8x1024xi32>
      %add3A_576 = arith.addi %add3A_567, %xor3A_575 : vector<16x8x1024xi32>
      %shift_left3A_577 = arith.constant 26 : i32
      %shift_left3A_578 = vector.broadcast %shift_left3A_577 : i32 to vector<16x8x1024xi32>
      %shift_left3A_579 = arith.shli %xor3A_575, %shift_left3A_578 : vector<16x8x1024xi32>
      %shift_right_logical3A_580 = arith.constant 6 : i32
      %shift_right_logical3A_581 = vector.broadcast %shift_right_logical3A_580 : i32 to vector<16x8x1024xi32>
      %shift_right_logical3A_582 = arith.shrui %xor3A_575, %shift_right_logical3A_581 : vector<16x8x1024xi32>
      %or3A_583 = arith.ori %shift_left3A_579, %shift_right_logical3A_582 : vector<16x8x1024xi32>
      %xor3A_584 = arith.xori %add3A_576, %or3A_583 : vector<16x8x1024xi32>
      %add3A_585 = arith.addi %add3A_576, %xor3A_584 : vector<16x8x1024xi32>
      %shift_left3A_586 = arith.constant 6 : i32
      %shift_left3A_587 = vector.broadcast %shift_left3A_586 : i32 to vector<16x8x1024xi32>
      %shift_left3A_588 = arith.shli %xor3A_584, %shift_left3A_587 : vector<16x8x1024xi32>
      %shift_right_logical3A_589 = arith.constant 26 : i32
      %shift_right_logical3A_590 = vector.broadcast %shift_right_logical3A_589 : i32 to vector<16x8x1024xi32>
      %shift_right_logical3A_591 = arith.shrui %xor3A_584, %shift_right_logical3A_590 : vector<16x8x1024xi32>
      %or3A_592 = arith.ori %shift_left3A_588, %shift_right_logical3A_591 : vector<16x8x1024xi32>
      %xor3A_593 = arith.xori %add3A_585, %or3A_592 : vector<16x8x1024xi32>
      %add3A_594 = arith.constant 0 : i32
      %add3A_595 = vector.broadcast %add3A_594 : i32 to vector<16x8x1024xi32>
      %add3A_596 = arith.addi %add3A_585, %add3A_595 : vector<16x8x1024xi32>
      %add3A_597 = arith.constant 42 : i32
      %add3A_598 = vector.broadcast %add3A_597 : i32 to vector<16x8x1024xi32>
      %add3A_599 = arith.addi %xor3A_593, %add3A_598 : vector<16x8x1024xi32>
      %add3A_600 = arith.constant 3 : i32
      %add3A_601 = vector.broadcast %add3A_600 : i32 to vector<16x8x1024xi32>
      %add3A_602 = arith.addi %add3A_599, %add3A_601 : vector<16x8x1024xi32>
      %add3A_603 = arith.addi %add3A_596, %add3A_602 : vector<16x8x1024xi32>
      %shift_left3A_604 = arith.constant 17 : i32
      %shift_left3A_605 = vector.broadcast %shift_left3A_604 : i32 to vector<16x8x1024xi32>
      %shift_left3A_606 = arith.shli %add3A_602, %shift_left3A_605 : vector<16x8x1024xi32>
      %shift_right_logical3A_607 = arith.constant 15 : i32
      %shift_right_logical3A_608 = vector.broadcast %shift_right_logical3A_607 : i32 to vector<16x8x1024xi32>
      %shift_right_logical3A_609 = arith.shrui %add3A_602, %shift_right_logical3A_608 : vector<16x8x1024xi32>
      %or3A_610 = arith.ori %shift_left3A_606, %shift_right_logical3A_609 : vector<16x8x1024xi32>
      %xor3A_611 = arith.xori %add3A_603, %or3A_610 : vector<16x8x1024xi32>
      %add3A_612 = arith.addi %add3A_603, %xor3A_611 : vector<16x8x1024xi32>
      %shift_left3A_613 = arith.constant 29 : i32
      %shift_left3A_614 = vector.broadcast %shift_left3A_613 : i32 to vector<16x8x1024xi32>
      %shift_left3A_615 = arith.shli %xor3A_611, %shift_left3A_614 : vector<16x8x1024xi32>
      %shift_right_logical3A_616 = arith.constant 3 : i32
      %shift_right_logical3A_617 = vector.broadcast %shift_right_logical3A_616 : i32 to vector<16x8x1024xi32>
      %shift_right_logical3A_618 = arith.shrui %xor3A_611, %shift_right_logical3A_617 : vector<16x8x1024xi32>
      %or3A_619 = arith.ori %shift_left3A_615, %shift_right_logical3A_618 : vector<16x8x1024xi32>
      %xor3A_620 = arith.xori %add3A_612, %or3A_619 : vector<16x8x1024xi32>
      %add3A_621 = arith.addi %add3A_612, %xor3A_620 : vector<16x8x1024xi32>
      %shift_left3A_622 = arith.constant 16 : i32
      %shift_left3A_623 = vector.broadcast %shift_left3A_622 : i32 to vector<16x8x1024xi32>
      %shift_left3A_624 = arith.shli %xor3A_620, %shift_left3A_623 : vector<16x8x1024xi32>
      %shift_right_logical3A_625 = arith.constant 16 : i32
      %shift_right_logical3A_626 = vector.broadcast %shift_right_logical3A_625 : i32 to vector<16x8x1024xi32>
      %shift_right_logical3A_627 = arith.shrui %xor3A_620, %shift_right_logical3A_626 : vector<16x8x1024xi32>
      %or3A_628 = arith.ori %shift_left3A_624, %shift_right_logical3A_627 : vector<16x8x1024xi32>
      %xor3A_629 = arith.xori %add3A_621, %or3A_628 : vector<16x8x1024xi32>
      %add3A_630 = arith.addi %add3A_621, %xor3A_629 : vector<16x8x1024xi32>
      %shift_left3A_631 = arith.constant 24 : i32
      %shift_left3A_632 = vector.broadcast %shift_left3A_631 : i32 to vector<16x8x1024xi32>
      %shift_left3A_633 = arith.shli %xor3A_629, %shift_left3A_632 : vector<16x8x1024xi32>
      %shift_right_logical3A_634 = arith.constant 8 : i32
      %shift_right_logical3A_635 = vector.broadcast %shift_right_logical3A_634 : i32 to vector<16x8x1024xi32>
      %shift_right_logical3A_636 = arith.shrui %xor3A_629, %shift_right_logical3A_635 : vector<16x8x1024xi32>
      %or3A_637 = arith.ori %shift_left3A_633, %shift_right_logical3A_636 : vector<16x8x1024xi32>
      %xor3A_638 = arith.xori %add3A_630, %or3A_637 : vector<16x8x1024xi32>
      %add3A_639 = arith.constant 42 : i32
      %add3A_640 = vector.broadcast %add3A_639 : i32 to vector<16x8x1024xi32>
      %add3A_641 = arith.addi %add3A_630, %add3A_640 : vector<16x8x1024xi32>
      %add3A_642 = arith.constant 466689008 : i32
      %add3A_643 = vector.broadcast %add3A_642 : i32 to vector<16x8x1024xi32>
      %add3A_644 = arith.addi %xor3A_638, %add3A_643 : vector<16x8x1024xi32>
      %add3A_645 = arith.constant 4 : i32
      %add3A_646 = vector.broadcast %add3A_645 : i32 to vector<16x8x1024xi32>
      %add3A_647 = arith.addi %add3A_644, %add3A_646 : vector<16x8x1024xi32>
      %add3A_648 = arith.addi %add3A_641, %add3A_647 : vector<16x8x1024xi32>
      %shift_left3A_649 = arith.constant 13 : i32
      %shift_left3A_650 = vector.broadcast %shift_left3A_649 : i32 to vector<16x8x1024xi32>
      %shift_left3A_651 = arith.shli %add3A_647, %shift_left3A_650 : vector<16x8x1024xi32>
      %shift_right_logical3A_652 = arith.constant 19 : i32
      %shift_right_logical3A_653 = vector.broadcast %shift_right_logical3A_652 : i32 to vector<16x8x1024xi32>
      %shift_right_logical3A_654 = arith.shrui %add3A_647, %shift_right_logical3A_653 : vector<16x8x1024xi32>
      %or3A_655 = arith.ori %shift_left3A_651, %shift_right_logical3A_654 : vector<16x8x1024xi32>
      %xor3A_656 = arith.xori %add3A_648, %or3A_655 : vector<16x8x1024xi32>
      %add3A_657 = arith.addi %add3A_648, %xor3A_656 : vector<16x8x1024xi32>
      %shift_left3A_658 = arith.constant 15 : i32
      %shift_left3A_659 = vector.broadcast %shift_left3A_658 : i32 to vector<16x8x1024xi32>
      %shift_left3A_660 = arith.shli %xor3A_656, %shift_left3A_659 : vector<16x8x1024xi32>
      %shift_right_logical3A_661 = arith.constant 17 : i32
      %shift_right_logical3A_662 = vector.broadcast %shift_right_logical3A_661 : i32 to vector<16x8x1024xi32>
      %shift_right_logical3A_663 = arith.shrui %xor3A_656, %shift_right_logical3A_662 : vector<16x8x1024xi32>
      %or3A_664 = arith.ori %shift_left3A_660, %shift_right_logical3A_663 : vector<16x8x1024xi32>
      %xor3A_665 = arith.xori %add3A_657, %or3A_664 : vector<16x8x1024xi32>
      %add3A_666 = arith.addi %add3A_657, %xor3A_665 : vector<16x8x1024xi32>
      %shift_left3A_667 = arith.constant 26 : i32
      %shift_left3A_668 = vector.broadcast %shift_left3A_667 : i32 to vector<16x8x1024xi32>
      %shift_left3A_669 = arith.shli %xor3A_665, %shift_left3A_668 : vector<16x8x1024xi32>
      %shift_right_logical3A_670 = arith.constant 6 : i32
      %shift_right_logical3A_671 = vector.broadcast %shift_right_logical3A_670 : i32 to vector<16x8x1024xi32>
      %shift_right_logical3A_672 = arith.shrui %xor3A_665, %shift_right_logical3A_671 : vector<16x8x1024xi32>
      %or3A_673 = arith.ori %shift_left3A_669, %shift_right_logical3A_672 : vector<16x8x1024xi32>
      %xor3A_674 = arith.xori %add3A_666, %or3A_673 : vector<16x8x1024xi32>
      %add3A_675 = arith.addi %add3A_666, %xor3A_674 : vector<16x8x1024xi32>
      %shift_left3A_676 = arith.constant 6 : i32
      %shift_left3A_677 = vector.broadcast %shift_left3A_676 : i32 to vector<16x8x1024xi32>
      %shift_left3A_678 = arith.shli %xor3A_674, %shift_left3A_677 : vector<16x8x1024xi32>
      %shift_right_logical3A_679 = arith.constant 26 : i32
      %shift_right_logical3A_680 = vector.broadcast %shift_right_logical3A_679 : i32 to vector<16x8x1024xi32>
      %shift_right_logical3A_681 = arith.shrui %xor3A_674, %shift_right_logical3A_680 : vector<16x8x1024xi32>
      %or3A_682 = arith.ori %shift_left3A_678, %shift_right_logical3A_681 : vector<16x8x1024xi32>
      %xor3A_683 = arith.xori %add3A_675, %or3A_682 : vector<16x8x1024xi32>
      %add3A_684 = arith.constant 466689008 : i32
      %add3A_685 = vector.broadcast %add3A_684 : i32 to vector<16x8x1024xi32>
      %add3A_686 = arith.addi %add3A_675, %add3A_685 : vector<16x8x1024xi32>
      %add3A_687 = arith.constant 0 : i32
      %add3A_688 = vector.broadcast %add3A_687 : i32 to vector<16x8x1024xi32>
      %add3A_689 = arith.addi %xor3A_683, %add3A_688 : vector<16x8x1024xi32>
      %add3A_690 = arith.constant 5 : i32
      %add3A_691 = vector.broadcast %add3A_690 : i32 to vector<16x8x1024xi32>
      %add3A_692 = arith.addi %add3A_689, %add3A_691 : vector<16x8x1024xi32>
      %xor3A_693 = arith.xori %add3A_686, %add3A_692 : vector<16x8x1024xi32>
      %shift_right_logical3A_694 = arith.constant 9 : i32
      %shift_right_logical3A_695 = vector.broadcast %shift_right_logical3A_694 : i32 to vector<16x8x1024xi32>
      %shift_right_logical3A_696 = arith.shrui %xor3A_693, %shift_right_logical3A_695 : vector<16x8x1024xi32>
      %or3A_697 = arith.constant 1065353216 : i32
      %or3A_698 = vector.broadcast %or3A_697 : i32 to vector<16x8x1024xi32>
      %or3A_699 = arith.ori %shift_right_logical3A_696, %or3A_698 : vector<16x8x1024xi32>
      %bitcast_convert_type3A = tpu.bitcast %or3A_699 : vector<16x8x1024xi32> -> vector<16x8x1024xf32>
      %sub3A_700 = arith.constant 1.000000e+00 : f32
      %sub3A_701 = vector.broadcast %sub3A_700 : f32 to vector<16x8x1024xf32>
      %sub3A_702 = arith.subf %bitcast_convert_type3A, %sub3A_701 : vector<16x8x1024xf32>
      %add3A_703 = arith.constant 1.17549435E-38 : f32
      %add3A_704 = vector.broadcast %add3A_703 : f32 to vector<16x8x1024xf32>
      %add3A_705 = arith.addf %sub3A_702, %add3A_704 : vector<16x8x1024xf32>
      %log3A_706 = math.log %add3A_705 : vector<16x8x1024xf32>
      %mul3A_707 = vector.broadcast %div3A_6 : vector<16x1x1024xf32> to vector<16x8x1024xf32>
      %mul3A_708 = arith.mulf %log3A_706, %mul3A_707 : vector<16x8x1024xf32>
      %reduce_max3A = arith.constant dense<0xFF800000> : vector<16x8xf32>
      %reduce_max3A_709 = vector.multi_reduction <maximumf>, %mul3A_708, %reduce_max3A [2] : vector<16x8x1024xf32> to vector<16x8xf32>
      %broadcast_in_dim3A_710 = vector.shape_cast %reduce_max3A_709 : vector<16x8xf32> to vector<16x8x1xf32>
      %mul3A_711 = arith.constant 8 : i32
      %mul3A_712 = arith.muli %while3A_464, %mul3A_711 : i32
      %add3A_713 = vector.broadcast %mul3A_712 : i32 to vector<16x8x1xi32>
      %add3A_714 = arith.addi %iota3A_8, %add3A_713 : vector<16x8x1xi32>
      %lt3A = arith.cmpi slt, %add3A_714, %select_n3A_361 : vector<16x8x1xi32>
      %jit3A_715 = arith.constant 1.000000e+00 : f32
      %broadcast_in_dim3A_716 = vector.broadcast %jit3A_715 : f32 to vector<16x8x1xf32>
      %select_n3A_717 = arith.select %lt3A, %broadcast_in_dim3A_710, %broadcast_in_dim3A_716 : vector<16x8x1xi1>, vector<16x8x1xf32>
      %eq3A_718 = vector.broadcast %select_n3A_717 : vector<16x8x1xf32> to vector<16x8x1024xf32>
      %eq3A_719 = arith.cmpf oeq, %mul3A_708, %eq3A_718 : vector<16x8x1024xf32>
      %jit3A_720 = arith.constant 1.000000e+00 : f32
      %jit3A_721 = arith.constant 0.000000e+00 : f32
      %broadcast_in_dim3A_722 = vector.broadcast %jit3A_720 : f32 to vector<16x8x1024xf32>
      %broadcast_in_dim3A_723 = vector.broadcast %jit3A_721 : f32 to vector<16x8x1024xf32>
      %select_n3A_724 = arith.select %eq3A_719, %broadcast_in_dim3A_722, %broadcast_in_dim3A_723 : vector<16x8x1024xi1>, vector<16x8x1024xf32>
      %add3A_725 = arith.addf %while3A_465, %select_n3A_724 : vector<16x8x1024xf32>
      scf.yield %add3A_725 : vector<16x8x1024xf32>
    }
    %while3A_403 = arith.constant 1 : i32
    %while3A_404 = scf.for %while3A_464 = %while3A_400 to %while3A_396 step %while3A_403 iter_args(%while3A_465 = %while3A_402) -> (vector<16x8x1024xf32>)  : i32 {
      %mul3A_466 = arith.constant 8192 : i32
      %mul3A_467 = arith.muli %while3A_464, %mul3A_466 : i32
      %add3A_468 = vector.broadcast %mul3A_467 : i32 to vector<16x8x1xi32>
      %add3A_469 = arith.addi %add3A_372, %add3A_468 : vector<16x8x1xi32>
      %add3A_470 = vector.broadcast %add3A_469 : vector<16x8x1xi32> to vector<16x8x1024xi32>
      %add3A_471 = vector.broadcast %iota3A : vector<1x1x1024xi32> to vector<16x8x1024xi32>
      %add3A_472 = arith.addi %add3A_470, %add3A_471 : vector<16x8x1024xi32>
      %shift_left3A = arith.constant 13 : i32
      %shift_left3A_473 = vector.broadcast %shift_left3A : i32 to vector<16x8x1024xi32>
      %shift_left3A_474 = arith.shli %add3A_472, %shift_left3A_473 : vector<16x8x1024xi32>
      %shift_right_logical3A = arith.constant 19 : i32
      %shift_right_logical3A_475 = vector.broadcast %shift_right_logical3A : i32 to vector<16x8x1024xi32>
      %shift_right_logical3A_476 = arith.shrui %add3A_472, %shift_right_logical3A_475 : vector<16x8x1024xi32>
      %or3A = arith.ori %shift_left3A_474, %shift_right_logical3A_476 : vector<16x8x1024xi32>
      %xor3A = arith.xori %add3A_472, %or3A : vector<16x8x1024xi32>
      %add3A_477 = arith.addi %add3A_472, %xor3A : vector<16x8x1024xi32>
      %shift_left3A_478 = arith.constant 15 : i32
      %shift_left3A_479 = vector.broadcast %shift_left3A_478 : i32 to vector<16x8x1024xi32>
      %shift_left3A_480 = arith.shli %xor3A, %shift_left3A_479 : vector<16x8x1024xi32>
      %shift_right_logical3A_481 = arith.constant 17 : i32
      %shift_right_logical3A_482 = vector.broadcast %shift_right_logical3A_481 : i32 to vector<16x8x1024xi32>
      %shift_right_logical3A_483 = arith.shrui %xor3A, %shift_right_logical3A_482 : vector<16x8x1024xi32>
      %or3A_484 = arith.ori %shift_left3A_480, %shift_right_logical3A_483 : vector<16x8x1024xi32>
      %xor3A_485 = arith.xori %add3A_477, %or3A_484 : vector<16x8x1024xi32>
      %add3A_486 = arith.addi %add3A_477, %xor3A_485 : vector<16x8x1024xi32>
      %shift_left3A_487 = arith.constant 26 : i32
      %shift_left3A_488 = vector.broadcast %shift_left3A_487 : i32 to vector<16x8x1024xi32>
      %shift_left3A_489 = arith.shli %xor3A_485, %shift_left3A_488 : vector<16x8x1024xi32>
      %shift_right_logical3A_490 = arith.constant 6 : i32
      %shift_right_logical3A_491 = vector.broadcast %shift_right_logical3A_490 : i32 to vector<16x8x1024xi32>
      %shift_right_logical3A_492 = arith.shrui %xor3A_485, %shift_right_logical3A_491 : vector<16x8x1024xi32>
      %or3A_493 = arith.ori %shift_left3A_489, %shift_right_logical3A_492 : vector<16x8x1024xi32>
      %xor3A_494 = arith.xori %add3A_486, %or3A_493 : vector<16x8x1024xi32>
      %add3A_495 = arith.addi %add3A_486, %xor3A_494 : vector<16x8x1024xi32>
      %shift_left3A_496 = arith.constant 6 : i32
      %shift_left3A_497 = vector.broadcast %shift_left3A_496 : i32 to vector<16x8x1024xi32>
      %shift_left3A_498 = arith.shli %xor3A_494, %shift_left3A_497 : vector<16x8x1024xi32>
      %shift_right_logical3A_499 = arith.constant 26 : i32
      %shift_right_logical3A_500 = vector.broadcast %shift_right_logical3A_499 : i32 to vector<16x8x1024xi32>
      %shift_right_logical3A_501 = arith.shrui %xor3A_494, %shift_right_logical3A_500 : vector<16x8x1024xi32>
      %or3A_502 = arith.ori %shift_left3A_498, %shift_right_logical3A_501 : vector<16x8x1024xi32>
      %xor3A_503 = arith.xori %add3A_495, %or3A_502 : vector<16x8x1024xi32>
      %add3A_504 = arith.constant 42 : i32
      %add3A_505 = vector.broadcast %add3A_504 : i32 to vector<16x8x1024xi32>
      %add3A_506 = arith.addi %add3A_495, %add3A_505 : vector<16x8x1024xi32>
      %add3A_507 = arith.constant 466689008 : i32
      %add3A_508 = vector.broadcast %add3A_507 : i32 to vector<16x8x1024xi32>
      %add3A_509 = arith.addi %xor3A_503, %add3A_508 : vector<16x8x1024xi32>
      %add3A_510 = arith.constant 1 : i32
      %add3A_511 = vector.broadcast %add3A_510 : i32 to vector<16x8x1024xi32>
      %add3A_512 = arith.addi %add3A_509, %add3A_511 : vector<16x8x1024xi32>
      %add3A_513 = arith.addi %add3A_506, %add3A_512 : vector<16x8x1024xi32>
      %shift_left3A_514 = arith.constant 17 : i32
      %shift_left3A_515 = vector.broadcast %shift_left3A_514 : i32 to vector<16x8x1024xi32>
      %shift_left3A_516 = arith.shli %add3A_512, %shift_left3A_515 : vector<16x8x1024xi32>
      %shift_right_logical3A_517 = arith.constant 15 : i32
      %shift_right_logical3A_518 = vector.broadcast %shift_right_logical3A_517 : i32 to vector<16x8x1024xi32>
      %shift_right_logical3A_519 = arith.shrui %add3A_512, %shift_right_logical3A_518 : vector<16x8x1024xi32>
      %or3A_520 = arith.ori %shift_left3A_516, %shift_right_logical3A_519 : vector<16x8x1024xi32>
      %xor3A_521 = arith.xori %add3A_513, %or3A_520 : vector<16x8x1024xi32>
      %add3A_522 = arith.addi %add3A_513, %xor3A_521 : vector<16x8x1024xi32>
      %shift_left3A_523 = arith.constant 29 : i32
      %shift_left3A_524 = vector.broadcast %shift_left3A_523 : i32 to vector<16x8x1024xi32>
      %shift_left3A_525 = arith.shli %xor3A_521, %shift_left3A_524 : vector<16x8x1024xi32>
      %shift_right_logical3A_526 = arith.constant 3 : i32
      %shift_right_logical3A_527 = vector.broadcast %shift_right_logical3A_526 : i32 to vector<16x8x1024xi32>
      %shift_right_logical3A_528 = arith.shrui %xor3A_521, %shift_right_logical3A_527 : vector<16x8x1024xi32>
      %or3A_529 = arith.ori %shift_left3A_525, %shift_right_logical3A_528 : vector<16x8x1024xi32>
      %xor3A_530 = arith.xori %add3A_522, %or3A_529 : vector<16x8x1024xi32>
      %add3A_531 = arith.addi %add3A_522, %xor3A_530 : vector<16x8x1024xi32>
      %shift_left3A_532 = arith.constant 16 : i32
      %shift_left3A_533 = vector.broadcast %shift_left3A_532 : i32 to vector<16x8x1024xi32>
      %shift_left3A_534 = arith.shli %xor3A_530, %shift_left3A_533 : vector<16x8x1024xi32>
      %shift_right_logical3A_535 = arith.constant 16 : i32
      %shift_right_logical3A_536 = vector.broadcast %shift_right_logical3A_535 : i32 to vector<16x8x1024xi32>
      %shift_right_logical3A_537 = arith.shrui %xor3A_530, %shift_right_logical3A_536 : vector<16x8x1024xi32>
      %or3A_538 = arith.ori %shift_left3A_534, %shift_right_logical3A_537 : vector<16x8x1024xi32>
      %xor3A_539 = arith.xori %add3A_531, %or3A_538 : vector<16x8x1024xi32>
      %add3A_540 = arith.addi %add3A_531, %xor3A_539 : vector<16x8x1024xi32>
      %shift_left3A_541 = arith.constant 24 : i32
      %shift_left3A_542 = vector.broadcast %shift_left3A_541 : i32 to vector<16x8x1024xi32>
      %shift_left3A_543 = arith.shli %xor3A_539, %shift_left3A_542 : vector<16x8x1024xi32>
      %shift_right_logical3A_544 = arith.constant 8 : i32
      %shift_right_logical3A_545 = vector.broadcast %shift_right_logical3A_544 : i32 to vector<16x8x1024xi32>
      %shift_right_logical3A_546 = arith.shrui %xor3A_539, %shift_right_logical3A_545 : vector<16x8x1024xi32>
      %or3A_547 = arith.ori %shift_left3A_543, %shift_right_logical3A_546 : vector<16x8x1024xi32>
      %xor3A_548 = arith.xori %add3A_540, %or3A_547 : vector<16x8x1024xi32>
      %add3A_549 = arith.constant 466689008 : i32
      %add3A_550 = vector.broadcast %add3A_549 : i32 to vector<16x8x1024xi32>
      %add3A_551 = arith.addi %add3A_540, %add3A_550 : vector<16x8x1024xi32>
      %add3A_552 = arith.constant 0 : i32
      %add3A_553 = vector.broadcast %add3A_552 : i32 to vector<16x8x1024xi32>
      %add3A_554 = arith.addi %xor3A_548, %add3A_553 : vector<16x8x1024xi32>
      %add3A_555 = arith.constant 2 : i32
      %add3A_556 = vector.broadcast %add3A_555 : i32 to vector<16x8x1024xi32>
      %add3A_557 = arith.addi %add3A_554, %add3A_556 : vector<16x8x1024xi32>
      %add3A_558 = arith.addi %add3A_551, %add3A_557 : vector<16x8x1024xi32>
      %shift_left3A_559 = arith.constant 13 : i32
      %shift_left3A_560 = vector.broadcast %shift_left3A_559 : i32 to vector<16x8x1024xi32>
      %shift_left3A_561 = arith.shli %add3A_557, %shift_left3A_560 : vector<16x8x1024xi32>
      %shift_right_logical3A_562 = arith.constant 19 : i32
      %shift_right_logical3A_563 = vector.broadcast %shift_right_logical3A_562 : i32 to vector<16x8x1024xi32>
      %shift_right_logical3A_564 = arith.shrui %add3A_557, %shift_right_logical3A_563 : vector<16x8x1024xi32>
      %or3A_565 = arith.ori %shift_left3A_561, %shift_right_logical3A_564 : vector<16x8x1024xi32>
      %xor3A_566 = arith.xori %add3A_558, %or3A_565 : vector<16x8x1024xi32>
      %add3A_567 = arith.addi %add3A_558, %xor3A_566 : vector<16x8x1024xi32>
      %shift_left3A_568 = arith.constant 15 : i32
      %shift_left3A_569 = vector.broadcast %shift_left3A_568 : i32 to vector<16x8x1024xi32>
      %shift_left3A_570 = arith.shli %xor3A_566, %shift_left3A_569 : vector<16x8x1024xi32>
      %shift_right_logical3A_571 = arith.constant 17 : i32
      %shift_right_logical3A_572 = vector.broadcast %shift_right_logical3A_571 : i32 to vector<16x8x1024xi32>
      %shift_right_logical3A_573 = arith.shrui %xor3A_566, %shift_right_logical3A_572 : vector<16x8x1024xi32>
      %or3A_574 = arith.ori %shift_left3A_570, %shift_right_logical3A_573 : vector<16x8x1024xi32>
      %xor3A_575 = arith.xori %add3A_567, %or3A_574 : vector<16x8x1024xi32>
      %add3A_576 = arith.addi %add3A_567, %xor3A_575 : vector<16x8x1024xi32>
      %shift_left3A_577 = arith.constant 26 : i32
      %shift_left3A_578 = vector.broadcast %shift_left3A_577 : i32 to vector<16x8x1024xi32>
      %shift_left3A_579 = arith.shli %xor3A_575, %shift_left3A_578 : vector<16x8x1024xi32>
      %shift_right_logical3A_580 = arith.constant 6 : i32
      %shift_right_logical3A_581 = vector.broadcast %shift_right_logical3A_580 : i32 to vector<16x8x1024xi32>
      %shift_right_logical3A_582 = arith.shrui %xor3A_575, %shift_right_logical3A_581 : vector<16x8x1024xi32>
      %or3A_583 = arith.ori %shift_left3A_579, %shift_right_logical3A_582 : vector<16x8x1024xi32>
      %xor3A_584 = arith.xori %add3A_576, %or3A_583 : vector<16x8x1024xi32>
      %add3A_585 = arith.addi %add3A_576, %xor3A_584 : vector<16x8x1024xi32>
      %shift_left3A_586 = arith.constant 6 : i32
      %shift_left3A_587 = vector.broadcast %shift_left3A_586 : i32 to vector<16x8x1024xi32>
      %shift_left3A_588 = arith.shli %xor3A_584, %shift_left3A_587 : vector<16x8x1024xi32>
      %shift_right_logical3A_589 = arith.constant 26 : i32
      %shift_right_logical3A_590 = vector.broadcast %shift_right_logical3A_589 : i32 to vector<16x8x1024xi32>
      %shift_right_logical3A_591 = arith.shrui %xor3A_584, %shift_right_logical3A_590 : vector<16x8x1024xi32>
      %or3A_592 = arith.ori %shift_left3A_588, %shift_right_logical3A_591 : vector<16x8x1024xi32>
      %xor3A_593 = arith.xori %add3A_585, %or3A_592 : vector<16x8x1024xi32>
      %add3A_594 = arith.constant 0 : i32
      %add3A_595 = vector.broadcast %add3A_594 : i32 to vector<16x8x1024xi32>
      %add3A_596 = arith.addi %add3A_585, %add3A_595 : vector<16x8x1024xi32>
      %add3A_597 = arith.constant 42 : i32
      %add3A_598 = vector.broadcast %add3A_597 : i32 to vector<16x8x1024xi32>
      %add3A_599 = arith.addi %xor3A_593, %add3A_598 : vector<16x8x1024xi32>
      %add3A_600 = arith.constant 3 : i32
      %add3A_601 = vector.broadcast %add3A_600 : i32 to vector<16x8x1024xi32>
      %add3A_602 = arith.addi %add3A_599, %add3A_601 : vector<16x8x1024xi32>
      %add3A_603 = arith.addi %add3A_596, %add3A_602 : vector<16x8x1024xi32>
      %shift_left3A_604 = arith.constant 17 : i32
      %shift_left3A_605 = vector.broadcast %shift_left3A_604 : i32 to vector<16x8x1024xi32>
      %shift_left3A_606 = arith.shli %add3A_602, %shift_left3A_605 : vector<16x8x1024xi32>
      %shift_right_logical3A_607 = arith.constant 15 : i32
      %shift_right_logical3A_608 = vector.broadcast %shift_right_logical3A_607 : i32 to vector<16x8x1024xi32>
      %shift_right_logical3A_609 = arith.shrui %add3A_602, %shift_right_logical3A_608 : vector<16x8x1024xi32>
      %or3A_610 = arith.ori %shift_left3A_606, %shift_right_logical3A_609 : vector<16x8x1024xi32>
      %xor3A_611 = arith.xori %add3A_603, %or3A_610 : vector<16x8x1024xi32>
      %add3A_612 = arith.addi %add3A_603, %xor3A_611 : vector<16x8x1024xi32>
      %shift_left3A_613 = arith.constant 29 : i32
      %shift_left3A_614 = vector.broadcast %shift_left3A_613 : i32 to vector<16x8x1024xi32>
      %shift_left3A_615 = arith.shli %xor3A_611, %shift_left3A_614 : vector<16x8x1024xi32>
      %shift_right_logical3A_616 = arith.constant 3 : i32
      %shift_right_logical3A_617 = vector.broadcast %shift_right_logical3A_616 : i32 to vector<16x8x1024xi32>
      %shift_right_logical3A_618 = arith.shrui %xor3A_611, %shift_right_logical3A_617 : vector<16x8x1024xi32>
      %or3A_619 = arith.ori %shift_left3A_615, %shift_right_logical3A_618 : vector<16x8x1024xi32>
      %xor3A_620 = arith.xori %add3A_612, %or3A_619 : vector<16x8x1024xi32>
      %add3A_621 = arith.addi %add3A_612, %xor3A_620 : vector<16x8x1024xi32>
      %shift_left3A_622 = arith.constant 16 : i32
      %shift_left3A_623 = vector.broadcast %shift_left3A_622 : i32 to vector<16x8x1024xi32>
      %shift_left3A_624 = arith.shli %xor3A_620, %shift_left3A_623 : vector<16x8x1024xi32>
      %shift_right_logical3A_625 = arith.constant 16 : i32
      %shift_right_logical3A_626 = vector.broadcast %shift_right_logical3A_625 : i32 to vector<16x8x1024xi32>
      %shift_right_logical3A_627 = arith.shrui %xor3A_620, %shift_right_logical3A_626 : vector<16x8x1024xi32>
      %or3A_628 = arith.ori %shift_left3A_624, %shift_right_logical3A_627 : vector<16x8x1024xi32>
      %xor3A_629 = arith.xori %add3A_621, %or3A_628 : vector<16x8x1024xi32>
      %add3A_630 = arith.addi %add3A_621, %xor3A_629 : vector<16x8x1024xi32>
      %shift_left3A_631 = arith.constant 24 : i32
      %shift_left3A_632 = vector.broadcast %shift_left3A_631 : i32 to vector<16x8x1024xi32>
      %shift_left3A_633 = arith.shli %xor3A_629, %shift_left3A_632 : vector<16x8x1024xi32>
      %shift_right_logical3A_634 = arith.constant 8 : i32
      %shift_right_logical3A_635 = vector.broadcast %shift_right_logical3A_634 : i32 to vector<16x8x1024xi32>
      %shift_right_logical3A_636 = arith.shrui %xor3A_629, %shift_right_logical3A_635 : vector<16x8x1024xi32>
      %or3A_637 = arith.ori %shift_left3A_633, %shift_right_logical3A_636 : vector<16x8x1024xi32>
      %xor3A_638 = arith.xori %add3A_630, %or3A_637 : vector<16x8x1024xi32>
      %add3A_639 = arith.constant 42 : i32
      %add3A_640 = vector.broadcast %add3A_639 : i32 to vector<16x8x1024xi32>
      %add3A_641 = arith.addi %add3A_630, %add3A_640 : vector<16x8x1024xi32>
      %add3A_642 = arith.constant 466689008 : i32
      %add3A_643 = vector.broadcast %add3A_642 : i32 to vector<16x8x1024xi32>
      %add3A_644 = arith.addi %xor3A_638, %add3A_643 : vector<16x8x1024xi32>
      %add3A_645 = arith.constant 4 : i32
      %add3A_646 = vector.broadcast %add3A_645 : i32 to vector<16x8x1024xi32>
      %add3A_647 = arith.addi %add3A_644, %add3A_646 : vector<16x8x1024xi32>
      %add3A_648 = arith.addi %add3A_641, %add3A_647 : vector<16x8x1024xi32>
      %shift_left3A_649 = arith.constant 13 : i32
      %shift_left3A_650 = vector.broadcast %shift_left3A_649 : i32 to vector<16x8x1024xi32>
      %shift_left3A_651 = arith.shli %add3A_647, %shift_left3A_650 : vector<16x8x1024xi32>
      %shift_right_logical3A_652 = arith.constant 19 : i32
      %shift_right_logical3A_653 = vector.broadcast %shift_right_logical3A_652 : i32 to vector<16x8x1024xi32>
      %shift_right_logical3A_654 = arith.shrui %add3A_647, %shift_right_logical3A_653 : vector<16x8x1024xi32>
      %or3A_655 = arith.ori %shift_left3A_651, %shift_right_logical3A_654 : vector<16x8x1024xi32>
      %xor3A_656 = arith.xori %add3A_648, %or3A_655 : vector<16x8x1024xi32>
      %add3A_657 = arith.addi %add3A_648, %xor3A_656 : vector<16x8x1024xi32>
      %shift_left3A_658 = arith.constant 15 : i32
      %shift_left3A_659 = vector.broadcast %shift_left3A_658 : i32 to vector<16x8x1024xi32>
      %shift_left3A_660 = arith.shli %xor3A_656, %shift_left3A_659 : vector<16x8x1024xi32>
      %shift_right_logical3A_661 = arith.constant 17 : i32
      %shift_right_logical3A_662 = vector.broadcast %shift_right_logical3A_661 : i32 to vector<16x8x1024xi32>
      %shift_right_logical3A_663 = arith.shrui %xor3A_656, %shift_right_logical3A_662 : vector<16x8x1024xi32>
      %or3A_664 = arith.ori %shift_left3A_660, %shift_right_logical3A_663 : vector<16x8x1024xi32>
      %xor3A_665 = arith.xori %add3A_657, %or3A_664 : vector<16x8x1024xi32>
      %add3A_666 = arith.addi %add3A_657, %xor3A_665 : vector<16x8x1024xi32>
      %shift_left3A_667 = arith.constant 26 : i32
      %shift_left3A_668 = vector.broadcast %shift_left3A_667 : i32 to vector<16x8x1024xi32>
      %shift_left3A_669 = arith.shli %xor3A_665, %shift_left3A_668 : vector<16x8x1024xi32>
      %shift_right_logical3A_670 = arith.constant 6 : i32
      %shift_right_logical3A_671 = vector.broadcast %shift_right_logical3A_670 : i32 to vector<16x8x1024xi32>
      %shift_right_logical3A_672 = arith.shrui %xor3A_665, %shift_right_logical3A_671 : vector<16x8x1024xi32>
      %or3A_673 = arith.ori %shift_left3A_669, %shift_right_logical3A_672 : vector<16x8x1024xi32>
      %xor3A_674 = arith.xori %add3A_666, %or3A_673 : vector<16x8x1024xi32>
      %add3A_675 = arith.addi %add3A_666, %xor3A_674 : vector<16x8x1024xi32>
      %shift_left3A_676 = arith.constant 6 : i32
      %shift_left3A_677 = vector.broadcast %shift_left3A_676 : i32 to vector<16x8x1024xi32>
      %shift_left3A_678 = arith.shli %xor3A_674, %shift_left3A_677 : vector<16x8x1024xi32>
      %shift_right_logical3A_679 = arith.constant 26 : i32
      %shift_right_logical3A_680 = vector.broadcast %shift_right_logical3A_679 : i32 to vector<16x8x1024xi32>
      %shift_right_logical3A_681 = arith.shrui %xor3A_674, %shift_right_logical3A_680 : vector<16x8x1024xi32>
      %or3A_682 = arith.ori %shift_left3A_678, %shift_right_logical3A_681 : vector<16x8x1024xi32>
      %xor3A_683 = arith.xori %add3A_675, %or3A_682 : vector<16x8x1024xi32>
      %add3A_684 = arith.constant 466689008 : i32
      %add3A_685 = vector.broadcast %add3A_684 : i32 to vector<16x8x1024xi32>
      %add3A_686 = arith.addi %add3A_675, %add3A_685 : vector<16x8x1024xi32>
      %add3A_687 = arith.constant 0 : i32
      %add3A_688 = vector.broadcast %add3A_687 : i32 to vector<16x8x1024xi32>
      %add3A_689 = arith.addi %xor3A_683, %add3A_688 : vector<16x8x1024xi32>
      %add3A_690 = arith.constant 5 : i32
      %add3A_691 = vector.broadcast %add3A_690 : i32 to vector<16x8x1024xi32>
      %add3A_692 = arith.addi %add3A_689, %add3A_691 : vector<16x8x1024xi32>
      %xor3A_693 = arith.xori %add3A_686, %add3A_692 : vector<16x8x1024xi32>
      %shift_right_logical3A_694 = arith.constant 9 : i32
      %shift_right_logical3A_695 = vector.broadcast %shift_right_logical3A_694 : i32 to vector<16x8x1024xi32>
      %shift_right_logical3A_696 = arith.shrui %xor3A_693, %shift_right_logical3A_695 : vector<16x8x1024xi32>
      %or3A_697 = arith.constant 1065353216 : i32
      %or3A_698 = vector.broadcast %or3A_697 : i32 to vector<16x8x1024xi32>
      %or3A_699 = arith.ori %shift_right_logical3A_696, %or3A_698 : vector<16x8x1024xi32>
      %bitcast_convert_type3A = tpu.bitcast %or3A_699 : vector<16x8x1024xi32> -> vector<16x8x1024xf32>
      %sub3A_700 = arith.constant 1.000000e+00 : f32
      %sub3A_701 = vector.broadcast %sub3A_700 : f32 to vector<16x8x1024xf32>
      %sub3A_702 = arith.subf %bitcast_convert_type3A, %sub3A_701 : vector<16x8x1024xf32>
      %add3A_703 = arith.constant 1.17549435E-38 : f32
      %add3A_704 = vector.broadcast %add3A_703 : f32 to vector<16x8x1024xf32>
      %add3A_705 = arith.addf %sub3A_702, %add3A_704 : vector<16x8x1024xf32>
      %log3A_706 = math.log %add3A_705 : vector<16x8x1024xf32>
      %mul3A_707 = vector.broadcast %div3A_6 : vector<16x1x1024xf32> to vector<16x8x1024xf32>
      %mul3A_708 = arith.mulf %log3A_706, %mul3A_707 : vector<16x8x1024xf32>
      %reduce_max3A = arith.constant dense<0xFF800000> : vector<16x8xf32>
      %reduce_max3A_709 = vector.multi_reduction <maximumf>, %mul3A_708, %reduce_max3A [2] : vector<16x8x1024xf32> to vector<16x8xf32>
      %broadcast_in_dim3A_710 = vector.shape_cast %reduce_max3A_709 : vector<16x8xf32> to vector<16x8x1xf32>
      %mul3A_711 = arith.constant 8 : i32
      %mul3A_712 = arith.muli %while3A_464, %mul3A_711 : i32
      %add3A_713 = vector.broadcast %mul3A_712 : i32 to vector<16x8x1xi32>
      %add3A_714 = arith.addi %iota3A_8, %add3A_713 : vector<16x8x1xi32>
      %lt3A = arith.cmpi slt, %add3A_714, %select_n3A_361 : vector<16x8x1xi32>
      %jit3A_715 = arith.constant 1.000000e+00 : f32
      %broadcast_in_dim3A_716 = vector.broadcast %jit3A_715 : f32 to vector<16x8x1xf32>
      %select_n3A_717 = arith.select %lt3A, %broadcast_in_dim3A_710, %broadcast_in_dim3A_716 : vector<16x8x1xi1>, vector<16x8x1xf32>
      %eq3A_718 = vector.broadcast %select_n3A_717 : vector<16x8x1xf32> to vector<16x8x1024xf32>
      %eq3A_719 = arith.cmpf oeq, %mul3A_708, %eq3A_718 : vector<16x8x1024xf32>
      %jit3A_720 = arith.constant 1.000000e+00 : f32
      %jit3A_721 = arith.constant 0.000000e+00 : f32
      %broadcast_in_dim3A_722 = vector.broadcast %jit3A_720 : f32 to vector<16x8x1024xf32>
      %broadcast_in_dim3A_723 = vector.broadcast %jit3A_721 : f32 to vector<16x8x1024xf32>
      %select_n3A_724 = arith.select %eq3A_719, %broadcast_in_dim3A_722, %broadcast_in_dim3A_723 : vector<16x8x1024xi1>, vector<16x8x1024xf32>
      %add3A_725 = arith.addf %while3A_465, %select_n3A_724 : vector<16x8x1024xf32>
      scf.yield %add3A_725 : vector<16x8x1024xf32>
    }
    %reduce_sum3A = arith.constant dense<0.000000e+00> : vector<16x1024xf32>
    %reduce_sum3A_405 = vector.multi_reduction <add>, %while3A_404, %reduce_sum3A [1] : vector<16x8x1024xf32> to vector<16x1024xf32>
    %broadcast_in_dim3A_406 = vector.shape_cast %reduce_sum3A_405 : vector<16x1024xf32> to vector<16x1x1024xf32>
    %swap3A = arith.constant 0 : index
    %swap3A_407 = arith.constant 0 : index
    %swap3A_408 = arith.constant 0 : index
    %swap3A_409 = vector.load %arg6[%swap3A, %swap3A_407, %swap3A_408] : memref<16x1x1024xf32, #tpu.memory_space<vmem>>, vector<16x1x1024xf32>
    tpu.vector_store %arg6[%swap3A, %swap3A_407, %swap3A_408], %broadcast_in_dim3A_406 {strides = array<i32>} : memref<16x1x1024xf32, #tpu.memory_space<vmem>>, vector<16x1x1024xf32>,
    %log3A = math.log %get3A_4 : vector<16x1x1024xf32>
    %max3A_410 = arith.constant -1.040000e+02 : f32
    %max3A_411 = vector.broadcast %max3A_410 : f32 to vector<16x1x1024xf32>
    %max3A_412 = arith.maximumf %log3A, %max3A_411 : vector<16x1x1024xf32>
    %log3A_413 = math.log %broadcast_in_dim3A_406 : vector<16x1x1024xf32>
    %max3A_414 = arith.constant -1.040000e+02 : f32
    %max3A_415 = vector.broadcast %max3A_414 : f32 to vector<16x1x1024xf32>
    %max3A_416 = arith.maximumf %log3A_413, %max3A_415 : vector<16x1x1024xf32>
    %add3A_417 = arith.constant 1.000000e+00 : f32
    %add3A_418 = vector.broadcast %add3A_417 : f32 to vector<16x1x1024xf32>
    %add3A_419 = arith.addf %max3A_412, %add3A_418 : vector<16x1x1024xf32>
    %sub3A_420 = arith.subf %add3A_419, %max3A_416 : vector<16x1x1024xf32>
    %mul3A_421 = arith.mulf %broadcast_in_dim3A_406, %sub3A_420 : vector<16x1x1024xf32>
    %reduce_sum3A_422 = vector.shape_cast %mul3A_421 : vector<16x1x1024xf32> to vector<1x16x1x1024xf32>
    %reduce_sum3A_423 = arith.constant dense<0.000000e+00> : vector<1xf32>
    %reduce_sum3A_424 = vector.multi_reduction <add>, %reduce_sum3A_422, %reduce_sum3A_423 [1, 2, 3] : vector<1x16x1x1024xf32> to vector<1xf32>
    %reduce_sum3A_425 = vector.shape_cast %reduce_sum3A_424 : vector<1xf32> to vector<1x1x1x1xf32>
    %reduce_sum3A_426 = vector.extract %reduce_sum3A_425[0, 0, 0, 0] : f32 from vector<1x1x1x1xf32>
    %slice3A = vector.extract_strided_slice %select_n3A_361 {offsets = [0, 0, 0], sizes = [16, 1, 1], strides = [1, 1, 1]} : vector<16x8x1xi32> to vector<16x1x1xi32>
    %squeeze3A = vector.shape_cast %slice3A : vector<16x1x1xi32> to vector<16x1xi32>
    %convert_element_type3A_427 = arith.sitofp %squeeze3A : vector<16x1xi32> to vector<16x1xf32>
    %squeeze3A_428 = vector.shape_cast %broadcast_in_dim3A_406 : vector<16x1x1024xf32> to vector<16x1024xf32>
    %reduce_sum3A_429 = arith.constant dense<0.000000e+00> : vector<16xf32>
    %reduce_sum3A_430 = vector.multi_reduction <add>, %squeeze3A_428, %reduce_sum3A_429 [1] : vector<16x1024xf32> to vector<16xf32>
    %broadcast_in_dim3A_431 = vector.shape_cast %reduce_sum3A_430 : vector<16xf32> to vector<16x1xf32>
    %sub3A_432 = arith.subf %convert_element_type3A_427, %broadcast_in_dim3A_431 : vector<16x1xf32>
    %integer_pow3A = arith.mulf %sub3A_432, %sub3A_432 : vector<16x1xf32>
    %reduce_sum3A_433 = vector.shape_cast %integer_pow3A : vector<16x1xf32> to vector<1x16x1xf32>
    %reduce_sum3A_434 = arith.constant dense<0.000000e+00> : vector<1xf32>
    %reduce_sum3A_435 = vector.multi_reduction <add>, %reduce_sum3A_433, %reduce_sum3A_434 [1, 2] : vector<1x16x1xf32> to vector<1xf32>
    %reduce_sum3A_436 = vector.shape_cast %reduce_sum3A_435 : vector<1xf32> to vector<1x1x1xf32>
    %reduce_sum3A_437 = vector.extract %reduce_sum3A_436[0, 0, 0] : f32 from vector<1x1x1xf32>
    %get3A_438 = arith.constant 0 : index
    %get3A_439 = memref.load %arg9[%get3A_438] : memref<2xf32, #tpu.memory_space<smem>>
    %add3A_440 = arith.addf %get3A_439, %reduce_sum3A_426 : f32
    %swap3A_441 = arith.constant 0 : index
    %swap3A_442 = memref.load %arg9[%swap3A_441] : memref<2xf32, #tpu.memory_space<smem>>
    memref.store %add3A_440, %arg9[%swap3A_441] : memref<2xf32, #tpu.memory_space<smem>>
    %get3A_443 = arith.constant 1 : index
    %get3A_444 = memref.load %arg9[%get3A_443] : memref<2xf32, #tpu.memory_space<smem>>
    %add3A_445 = arith.addf %get3A_444, %reduce_sum3A_437 : f32
    %swap3A_446 = arith.constant 1 : index
    %swap3A_447 = memref.load %arg9[%swap3A_446] : memref<2xf32, #tpu.memory_space<smem>>
    memref.store %add3A_445, %arg9[%swap3A_446] : memref<2xf32, #tpu.memory_space<smem>>
    %get3A_448 = arith.constant 0 : index
    %get3A_449 = arith.constant 0 : index
    %get3A_450 = vector.load %arg8[%get3A_448, %get3A_449] : memref<1x1024xf32, #tpu.memory_space<vmem>>, vector<1x1024xf32>
    %squeeze3A_451 = vector.shape_cast %broadcast_in_dim3A_406 : vector<16x1x1024xf32> to vector<16x1024xf32>
    %reduce_sum3A_452 = arith.constant dense<0.000000e+00> : vector<1024xf32>
    %reduce_sum3A_453 = vector.multi_reduction <add>, %squeeze3A_451, %reduce_sum3A_452 [0] : vector<16x1024xf32> to vector<1024xf32>
    %broadcast_in_dim3A_454 = vector.shape_cast %reduce_sum3A_453 : vector<1024xf32> to vector<1x1024xf32>
    %add3A_455 = arith.addf %get3A_450, %broadcast_in_dim3A_454 : vector<1x1024xf32>
    %swap3A_456 = arith.constant 0 : index
    %swap3A_457 = arith.constant 0 : index
    %swap3A_458 = vector.load %arg8[%swap3A_456, %swap3A_457] : memref<1x1024xf32, #tpu.memory_space<vmem>>, vector<1x1024xf32>
    tpu.vector_store %arg8[%swap3A_456, %swap3A_457], %add3A_455 {strides = array<i32>} : memref<1x1024xf32, #tpu.memory_space<vmem>>, vector<1x1024xf32>,
    %eq3A_459 = arith.constant 255 : i32
    %eq3A_460 = arith.cmpi eq, %arg0, %eq3A_459 : i32
    %convert_element_type3A_461 = arith.extui %eq3A_460 : i1 to i32
    %cond3A_462 = arith.constant 0 : i32
    %cond3A_463 = arith.cmpi ne, %convert_element_type3A_461, %cond3A_462 : i32
    scf.if %cond3A_463 {
      %get3A_464 = arith.constant 0 : index
      %get3A_465 = arith.constant 0 : index
      %get3A_466 = vector.load %arg5[%get3A_464, %get3A_465] : memref<1x1024xf32, #tpu.memory_space<vmem>>, vector<1x1024xf32>
      %get3A_467 = arith.constant 0 : index
      %get3A_468 = arith.constant 0 : index
      %get3A_469 = vector.load %arg8[%get3A_467, %get3A_468] : memref<1x1024xf32, #tpu.memory_space<vmem>>, vector<1x1024xf32>
      %sub3A_470 = arith.subf %get3A_466, %get3A_469 : vector<1x1024xf32>
      %integer_pow3A_471 = arith.mulf %sub3A_470, %sub3A_470 : vector<1x1024xf32>
      %reduce_sum3A_472 = vector.shape_cast %integer_pow3A_471 : vector<1x1024xf32> to vector<1x1x1024xf32>
      %reduce_sum3A_473 = arith.constant dense<0.000000e+00> : vector<1xf32>
      %reduce_sum3A_474 = vector.multi_reduction <add>, %reduce_sum3A_472, %reduce_sum3A_473 [1, 2] : vector<1x1x1024xf32> to vector<1xf32>
      %reduce_sum3A_475 = vector.shape_cast %reduce_sum3A_474 : vector<1xf32> to vector<1x1x1xf32>
      %reduce_sum3A_476 = vector.extract %reduce_sum3A_475[0, 0, 0] : f32 from vector<1x1x1xf32>
      %get3A_477 = arith.constant 0 : index
      %get3A_478 = memref.load %arg9[%get3A_477] : memref<2xf32, #tpu.memory_space<smem>>
      %get3A_479 = arith.constant 0 : index
      %get3A_480 = arith.constant 0 : index
      %get3A_481 = memref.load %arg3[%get3A_479, %get3A_480] : memref<1x1xf32, #tpu.memory_space<smem>>
      %get3A_482 = arith.constant 1 : index
      %get3A_483 = memref.load %arg9[%get3A_482] : memref<2xf32, #tpu.memory_space<smem>>
      %add3A_484 = arith.addf %get3A_483, %reduce_sum3A_476 : f32
      %mul3A_485 = arith.mulf %get3A_481, %add3A_484 : f32
      %sub3A_486 = arith.subf %get3A_478, %mul3A_485 : f32
      %neg3A = arith.constant 0.000000e+00 : f32
      %neg3A_487 = arith.subf %neg3A, %sub3A_486 : f32
      %swap3A_488 = arith.constant 0 : index
      %swap3A_489 = arith.constant 0 : index
      %swap3A_490 = memref.load %arg7[%swap3A_488, %swap3A_489] : memref<1x1xf32, #tpu.memory_space<smem>>
      memref.store %neg3A_487, %arg7[%swap3A_488, %swap3A_489] : memref<1x1xf32, #tpu.memory_space<smem>>
    } else {
    }
    return
  }
  func.func @transform_0(%arg0: i32) -> i32 {
    %c0_i32 = arith.constant 0 : i32
    %c0_i32_0 = arith.constant 0 : i32
    return %c0_i32 : i32
  }
  func.func @transform_1(%arg0: i32) -> i32 {
    %c0_i32 = arith.constant 0 : i32
    %c0_i32_0 = arith.constant 0 : i32
    return %c0_i32 : i32
  }
  func.func @transform_2(%arg0: i32) -> (i32, i32) {
    %c0_i32 = arith.constant 0 : i32
    %c0_i32_0 = arith.constant 0 : i32
    %c0_i32_1 = arith.constant 0 : i32
    return %c0_i32, %c0_i32_0 : i32, i32
  }
  func.func @transform_3(%arg0: i32) -> (i32, i32, i32) {
    %c0_i32 = arith.constant 0 : i32
    %c0_i32_0 = arith.constant 0 : i32
    %c0_i32_1 = arith.constant 0 : i32
    return %arg0, %c0_i32, %c0_i32_0 : i32, i32, i32
  }
  func.func @transform_4(%arg0: i32) -> (i32, i32) {
    %c0_i32 = arith.constant 0 : i32
    %c0_i32_0 = arith.constant 0 : i32
    %c0_i32_1 = arith.constant 0 : i32
    return %c0_i32, %c0_i32_0 : i32, i32
  }
  func.func @transform_5(%arg0: i32) -> (i32, i32, i32) {
    %c0_i32 = arith.constant 0 : i32
    %c0_i32_0 = arith.constant 0 : i32
    %c0_i32_1 = arith.constant 0 : i32
    return %arg0, %c0_i32, %c0_i32_0 : i32, i32, i32
  }
  func.func @transform_6(%arg0: i32) -> (i32, i32) {
    %c0_i32 = arith.constant 0 : i32
    %c0_i32_0 = arith.constant 0 : i32
    %c0_i32_1 = arith.constant 0 : i32
    return %c0_i32, %c0_i32_0 : i32, i32
  }
}

</mosaic_0001>

<sc_bundles>
// kernel: gather_offload_async_start.1
scs
__scs_entry_jumppad:
0x0: {  	(pc) =	sbr.rel $0x88, $3  }
0x1: {  	(tag) =	ssettag $0x0;
	lr =	simm.s32 $0x1  }
0x2: {  	[smem:$0x3F9D] =	sst lr;
	_ =	strace $0xD0000000  }
0x3: {  	_ = 	snop  }
0x4: {  	_ = 	snop  }
0x5: {  	_ = 	snop  }
0x6: {  	_ = 	snop  }
0x7: {  	_ = 	snop  }
__scs_overlays_trampoline_lowered:
0x8: {  	[smem:$0x3FAC] =	sst s0  }
0x9: {  	[smem:$0x3FAD] =	sst s1  }
0xa: {  	[smem:$0x3FAE] =	sst s2  }
0xb: {  	[smem:$0x3FAF] =	sst s3  }
0xc: {  	[smem:$0x3FB0] =	sst s4  }
0xd: {  	[smem:$0x3FB1] =	sst s5  }
0xe: {  	[smem:$0x3FB2] =	sst s6  }
0xf: {  	[smem:$0x3FB3] =	sst s7  }
0x10: {  	[smem:$0x3FB4] =	sst s8  }
0x11: {  	[smem:$0x3FB5] =	sst s9;
	s0 =	simm.s32 @!p0 $0x0  }
0x12: {  	s1 =	sld [smem:$0x3F9B];
	s0 =	simm.s32 @p0 $0x1  }
0x13: {  	[smem:$0x3FB6] =	sst s0;
	s0 =	simm.s32 @!p1 $0x0  }
0x14: {  	s2 =	sld [smem:$0x3F9A];
	s0 =	simm.s32 @p1 $0x1  }
0x15: {  	[smem:$0x3FB7] =	sst s0;
	s0 =	simm.s32 @!p2 $0x0  }
0x16: {  	s3 =	sld [smem:$0x3FDB];
	s0 =	simm.s32 @p2 $0x1  }
0x17: {  	s4 =	simm.s32 $0x1BF5;
	[smem:$0x3FB9] =	sst s0  }
0x18: {  	s0 =	sld [smem:$0x3F9C];
	_ =	swait.ge [sflag:s4], $0x0  }
0x19: {  	s7 =	sld [smem:$0x3F9D]  }
0x1a: {  	s8 =	sadd.s32 $0xFFFFE003, lr  }
0x1b: {  	s9 =	sadd.s32 $0xFFFFFEF7, lr;
	s5 =	simm.s32 $0xFFFFFFFF;
	p2 =	slt.u32 s8, $0xFFFFF086  }
0x1c: {  	p1 =	slt.u32 s9, $0xF7A;
	s5 =	simm.s32 @!p2 $0x0  }
0x1d: {  	s5 =	simm.s32 @p1 $0x1;
	p0 =	seq.s32 s7, s2  }
0x1e: {  	s7 =	smul.u32 @!p0 $0xF7A, s2;
	p2 =	seq.s32 @!p0 s5, $0x0  }
0x1f: {  	s9 =	smul.u32 $0xF7A, s1;
	s8 =	simm.s32 @!p0 $0x1BF5;
	p2 =	por !p2, p0  }
0x20: {  	[sflag:s8] =	ssyncset.s32 @!p0 $0xFFFFF086;
	s6 =	sadd.s32 @!p0 s3, s7;
	s7 =	simm.s32 @!p0 $0x108  }
0x21: {  	s3 =	sadd.s32 s3, s9;
	s6 =	sadd.s32 @!p0 $0x88, s6;
	s7 =	simm.s32 @p2 $0x1082  }
0x22: {  	[simem:s7], [sflag:s8] =	dma.local @!p0 [hbm:s6], $0xF7A  }
0x23: {  	s9 =	sor.u32 $0xD0000000, s2;
	s6 =	simm.s32 $0x108;
	_ =	swait.ge @!p0 [sflag:s8], $0x0  }
0x24: {  	s3 =	sadd.s32 $0x88, s3;
	s6 =	simm.s32 @!p1 $0x1082;
	[sflag:s4] =	ssyncset.s32 $0xFFFFF086  }
0x25: {  	[simem:s6], [sflag:s4] =	dma.local [hbm:s3], $0xF7A  }
0x26: {  	[smem:$0x3F9D] =	sst s1;
	(tag) =	ssettag s2;
	_ =	strace s9  }
0x27: {  	s1 =	sld [smem:$0x3FAD]  }
0x28: {  	s2 =	sld [smem:$0x3FAE]  }
0x29: {  	s4 =	sld [smem:$0x3FB0]  }
0x2a: {  	p0 =	seq.s32 s5, $0x0;
	s5 =	sld [smem:$0x3FB1]  }
0x2b: {  	s6 =	sld [smem:$0x3FB2]  }
0x2c: {  	s7 =	sld [smem:$0x3FB3]  }
0x2d: {  	s3 =	simm.s32 $0x108;
	s8 =	sld [smem:$0x3FB4]  }
0x2e: {  	s3 =	simm.s32 @!p0 $0x1082;
	s9 =	sld [smem:$0x3FB5]  }
0x2f: {  	lr =	sadd.s32 s0, s3;
	s0 =	sld [smem:$0x3FAC]  }
0x30: {  	s3 =	sld [smem:$0x3FAF]  }
0x31: {  	[smem:$0x3FB8] =	sst s10  }
0x32: {  	s10 =	sld [smem:$0x3FB6];
	_ =	sdelay $0x3  }
0x33: {  	p0 =	seq.s32 s10, $0x1;
	s10 =	sld [smem:$0x3FB8];
	_ =	sdelay $0x3  }
0x34: {  	[smem:$0x3FB8] =	sst s10  }
0x35: {  	s10 =	sld [smem:$0x3FB7];
	_ =	sdelay $0x3  }
0x36: {  	p1 =	seq.s32 s10, $0x1;
	s10 =	sld [smem:$0x3FB8];
	_ =	sdelay $0x3  }
0x37: {  	[smem:$0x3FB8] =	sst s10  }
0x38: {  	s10 =	sld [smem:$0x3FB9]  }
0x39: {  	_ = 	snop;
	(pc) =	sbr.ind lr, $3  }
0x3a: {  	_ = 	snop  }
0x3b: {  	_ = 	snop  }
0x3c: {  	p2 =	seq.s32 s10, $0x1;
	s10 =	sld [smem:$0x3FB8]  }
0x3d: {  	_ =	shalt  }
0x3e: {  	_ =	shalt  }
0x3f: {  	_ =	shalt  }
0x40: {  	_ =	shalt  }
0x41: {  	_ =	shalt  }
0x42: {  	_ =	shalt  }
0x43: {  	_ =	shalt  }
0x44: {  	_ =	shalt  }
0x45: {  	_ =	shalt  }
0x46: {  	_ =	shalt  }
0x47: {  	_ =	shalt  }
0x48: {  	_ =	shalt  }
0x49: {  	_ =	shalt  }
0x4a: {  	_ =	shalt  }
0x4b: {  	_ =	shalt  }
0x4c: {  	_ =	shalt  }
0x4d: {  	_ =	shalt  }
0x4e: {  	_ =	shalt  }
0x4f: {  	_ =	shalt  }
0x50: {  	_ =	shalt  }
0x51: {  	_ =	shalt  }
0x52: {  	_ =	shalt  }
0x53: {  	_ =	shalt  }
0x54: {  	_ =	shalt  }
0x55: {  	_ =	shalt  }
0x56: {  	_ =	shalt  }
0x57: {  	_ =	shalt  }
0x58: {  	_ =	shalt  }
0x59: {  	_ =	shalt  }
0x5a: {  	_ =	shalt  }
0x5b: {  	_ =	shalt  }
0x5c: {  	_ =	shalt  }
0x5d: {  	_ =	shalt  }
0x5e: {  	_ =	shalt  }
0x5f: {  	_ =	shalt  }
0x60: {  	_ =	shalt  }
0x61: {  	_ =	shalt  }
0x62: {  	_ =	shalt  }
0x63: {  	_ =	shalt  }
0x64: {  	_ =	shalt  }
0x65: {  	_ =	shalt  }
0x66: {  	_ =	shalt  }
0x67: {  	_ =	shalt  }
0x68: {  	_ =	shalt  }
0x69: {  	_ =	shalt  }
0x6a: {  	_ =	shalt  }
0x6b: {  	_ =	shalt  }
0x6c: {  	_ =	shalt  }
0x6d: {  	_ =	shalt  }
0x6e: {  	_ =	shalt  }
0x6f: {  	_ =	shalt  }
0x70: {  	_ =	shalt  }
0x71: {  	_ =	shalt  }
0x72: {  	_ =	shalt  }
0x73: {  	_ =	shalt  }
0x74: {  	_ =	shalt  }
0x75: {  	_ =	shalt  }
0x76: {  	_ =	shalt  }
0x77: {  	_ =	shalt  }
0x78: {  	_ =	shalt  }
0x79: {  	_ =	shalt  }
0x7a: {  	_ =	shalt  }
0x7b: {  	_ =	shalt  }
0x7c: {  	_ =	shalt  }
0x7d: {  	_ =	shalt  }
0x7e: {  	_ =	shalt  }
0x7f: {  	_ =	shalt  }
0x80: {  	_ =	shalt  }
0x81: {  	_ =	shalt  }
0x82: {  	_ =	shalt  }
0x83: {  	_ =	shalt  }
0x84: {  	_ =	shalt  }
0x85: {  	_ =	shalt  }
0x86: {  	_ =	shalt  }
0x87: {  	_ =	shalt  }
.Lfunc_end0:
.L_simem_size_0:
called_computation.1_lowered:
.L_overlay_start_0:
0x88: {  	s2 =	sld [smem:$0x3FD9]  }
0x89: {  	s3 =	sld [smem:$0x3FFE];
	_ =	sdelay $0x1  }
0x8a: {  	s1 =	srdreg.scid  }
0x8b: {  	s0 =	sand.u32 $0x1, s1  }
0x8c: {  	s17 =	sshll.u32 s0, $0xA;
	s2 =	sadd.s32 s3, s2  }
0x8d: {  	s2 =	sadd.s32 s2, s17  }
0x8e: {  	[smem:$0x3FC4] =	sst s2  }
0x8f: {  	_ = 	snop  }
0x90: {  	(tm) =	ssettm $0x1  }
0x91: {  	s18 =	sld [smem:$0x3FFB];
	_ =	sdelay $0x3  }
0x92: {  	_ =	strace s18  }
0x93: {  	s2 =	sld [smem:$0x3FFC];
	_ =	sdelay $0x3  }
0x94: {  	_ =	strace s2  }
0x95: {  	s2 =	sld [smem:$0x3FFD];
	_ =	sdelay $0x3  }
0x96: {  	_ =	strace s2  }
0x97: {  	_ =	strace $0x8FFFFFFF  }
0x98: {  	s19 =	sld [smem:$0x3FDB];
	_ =	sdelay $0x1  }
0x99: {  	s20 =	simm.s32 $_scs_section_size  }
0x9a: {  	s4 =	simm.s32 $_size__tile_overlayer_lowered;
	s5 =	simm.s32 $_tile_overlayer_lowered  }
0x9b: {  	s6 =	simm.s32 $0x1BFF;
	s21 =	sshll.u32 s5, $0x1;
	s3 =	sadd.s32 s20, s19  }
0x9c: {  	s22 =	simm.s32 $0x0;
	s4 =	sshll.u32 s4, $0x1;
	s5 =	sadd.s32 s21, s3  }
0x9d: {  	[timem:s22], [sflag:s6] =	dma.local [hbm:s5], s4  }
0x9e: {  	_ =	swait.ge [sflag:s6], s4  }
0x9f: {  	s4 =	ssub.s32 $0x0, s4;
	[sflag:s6] =	ssyncset.done $0x0  }
0xa0: {  	[sflag:s6] =	ssyncadd.s32 s4;
	_ =	sdelay $0x1  }
0xa1: {  	s23 =	simm.s32 $0x1B8B  }
0xa2: {  	_ =	swait.ge [sflag:s23], $0x1  }
0xa3: {  	[sflag:s23] =	ssyncset.done $0x0  }
0xa4: {  	[sflag:s23] =	ssyncadd.s32 $0xFFFFFFFF  }
0xa5: {  	s4 =	sld [smem:$0x0]  }
0xa6: {  	s5 =	sand.u32 $0xFFFFFFFE, s1  }
0xa7: {  	p0 =	sne.s32 s1, s5  }
0xa8: {  	s5 =	sshll.u32 @p0 s5, $0xE  }
0xa9: {  	s5 =	sadd.s32 @p0 $0x11B8D, s5;
	s6 =	sshll.u32 @p0 s4, $0x11  }
0xaa: {  	s5 =	sor.u32 @p0 s6, s5  }
0xab: {  	[sflag:s5] =	ssyncadd.remote.s32 @p0 $0x1;
	_ =	sdelay $0x1  }
0xac: {  	s5 =	simm.s32 @p0 $0x1B8D  }
0xad: {  	_ =	swait.eq @p0 [sflag:s5], $0x1  }
0xae: {  	[sflag:s5] =	ssyncadd.s32 @p0 $0xFFFFFFFF  }
0xaf: {  	s6 =	sshll.u32 @!p0 s1, $0xE  }
0xb0: {  	s6 =	sor.u32 @!p0 $0x4000, s6;
	s5 =	simm.s32 @!p0 $0x1B8D  }
0xb1: {  	s4 =	sshll.u32 @!p0 s4, $0x11;
	s6 =	sadd.s32 @!p0 $0x11B8D, s6;
	_ =	swait.eq @!p0 [sflag:s5], $0x1  }
0xb2: {  	s4 =	sor.u32 @!p0 s4, s6;
	[sflag:s5] =	ssyncadd.s32 @!p0 $0xFFFFFFFF  }
0xb3: {  	s25 =	simm.s32 $0x1B8E;
	s24 =	sld [smem:$0x3FFE];
	[sflag:s4] =	ssyncadd.remote.s32 @!p0 $0x1  }
0xb4: {  	s26 =	simm.s32 $execute0_lowered;
	[smem:$0x3FD2] =	sst s25  }
0xb5: {  	s5 =	sshll.u32 s26, $0x1;
	_ =	strace $0x80000049;
	[dreg:$0x1] =	wrdreg $0xFFFFFFFF  }
0xb6: {  	s28 =	simm.s32 $_size_execute0_lowered;
	s3 =	sadd.s32 s3, s5;
	[dreg:$0x0] =	wrdreg $0x0  }
0xb7: {  	s5 =	sshll.u32 s28, $0x1;
	[dreg:$0x2] =	wrdreg s3  }
0xb8: {  	[dreg:$0x3] =	wrdreg s5  }
0xb9: {  	[dreg:$0x4] =	wrdreg $0xC0  }
0xba: {  	_ =	task [dreg:s22], $0x5FFFF  }
0xbb: {  	[dreg:$0x1] =	wrdreg $0xFFFFFFFF  }
0xbc: {  	[dreg:$0x0] =	wrdreg $0x60  }
0xbd: {  	[dreg:$0x2] =	wrdreg s24  }
0xbe: {  	[dreg:$0x3] =	wrdreg $0xA  }
0xbf: {  	_ =	task.clear_ibuf [dreg:s22], $0x4FFFF;
	_ =	strace $0x90000049  }
0xc0: {  	s29 =	simm.s32 $0xA;
	_ =	strace $0x8000004B  }
0xc1: {  	_ =	swait.ge [sflag:s29], $0x1  }
0xc2: {  	[sflag:s29] =	ssyncadd.s32 $0xFFFFFFFF  }
0xc3: {  	_ =	strace $0x9000004B  }
0xc4: {  	_ =	sfence  }
0xc5: {  	s30 =	sld [smem:$0x0];
	_ =	sdelay $0x2  }
0xc6: {  	s31 =	sshll.u32 s1, $0xD;
	s1 =	sshrl.u32 s1, $0x2  }
0xc7: {  	s4 =	sand.u32 $0x4000, s31;
	s1 =	sadd.s32 s1, s30  }
0xc8: {  	s0 =	sor.u32 s4, s0;
	s1 =	sshll.u32 s1, $0x11  }
0xc9: {  	s0 =	sor.u32 s1, s0  }
0xca: {  	s0 =	sadd.s32 $0x8F2B, s0  }
0xcb: {  	[sflag:s0] =	ssyncadd.remote.s32 $0x1  }
0xcc: {  	_ =	sfence.sel $0xFFFF  }
0xcd: {  	[dreg:$0x0] =	wrdreg $0xFFFFFFFF;
	(pc) =	sbr.abs _section_cstart, $3  }
0xce: {  	[dreg:$0x1] =	wrdreg $0xFFFFFFFF  }
0xcf: {  	_ =	task.clear_ibuf [dreg:s22], $0x2FFFF;
	_ =	strace $0x9FFFFFFF  }
0xd0: {  	(tm) =	ssettm $0x7FFFFFFF  }
0xd1: {  	_ =	shalt  }
tec
execute0_lowered:
.L_overlay_start_1:
0x0: {  	(tag) =	ssettag $0x1  }
0x1: {  	s1 =	srdreg.scid  }
0x2: {  	s0 =	stileid.u32;
	s2 =	rddreg [dreg:$0x0];
	s6 =	simm.s32 $0x1  }
0x3: {  	s9 =	simm.s32 $0x1;
	s10 =	simm.s32 $0x3;
	s1 =	sshll.u32 s1, $0x6  }
0x4: {  	s13 =	simm.s32 $0x0;
	s3 =	sshll.u32 s0, $0x7;
	s4 =	sand.u32 $0x40, s1  }
0x5: {  	s12 =	simm.s32 $0x0;
	s5 =	sadd.s32 $0x80800, s2;
	s3 =	sor.u32 s3, s4  }
0x6: {  	s1 =	rddreg [dreg:$0x1];
	_ =	strace $0x8000004A;
	s8 =	ssub.s32 $0x1000, s3  }
.Ltmp0:
0x7: {  	s4 =	sadd.s32 $0x200, s2;
	s7 =	sand.u32 $0x7C0, s8;
	(pc) =	sbr.rel .LBB2_1-.Ltmp0, $4  }
0x8: {  	[sflag:s6] =	ssyncpa.u1 $0x0;
	s11 =	smov.u32 s3;
	p0 =	sne.s32 s7, $0x0  }
0x9: {  	s8 =	sshrl.u32 s8, $0xB;
	s7 =	simm.s32 $0x2;
	s9 =	simm.s32 @!p0 $0x0  }
0xa: {  	[sflag:s7] =	ssyncpa.u1 $0x0;
	p0 =	por $0x0, $0x0;
	s8 =	sadd.s32 s9, s8  }
0xb: {  	vm0 =	vmmov $0xffff;
	[sflag:s10] =	ssyncpa.u1 $0x0;
	s10 =	simm.s32 $0x0;
	s9 =	sadd.s32 $0x1, s8  }
.LBB2_4:
0xc: {  	v2 =	vnsel vm1, $0x0, v2  }
0xd: {  	vm1 =	vgt.s32 v0, $0x0;
	v2 =	vmin.u32 v2, $0xFFF  }
0xe: {  	v0 =	vnsel vm1, $0x0, v0  }
0xf: {  	v0 =	vmin.u32 v0, $0xFFF  }
0x10: {  	[tilespmem:s15], [sflag:$0x1] =	stream.indirect_vreg.gather [hbm4b:s2+s10], $0x1, v1, vm0, $0x4038;
	[tilespmem:$0x100] =	vst v63  }
0x11: {  	(ifvalue) =	ssetifvalue $0x7FFFFFFF  }
0x12: {  	[tilespmem:s16], [sflag:$0x1] =	stream.indirect_vreg.gather [hbm4b:s2+s10], $0x1, v2, vm0, $0x4038;
	[tilespmem:$0x100] =	vst v63  }
0x13: {  	s29 =	sadd.s32 $0x10, s16;
	(ifvalue) =	ssetifvalue $0x7FFFFFFF  }
0x14: {  	[tilespmem:s29], [sflag:$0x1] =	stream.indirect_vreg.gather [hbm4b:s2+s10], $0x1, v0, vm0, $0x4038;
	[tilespmem:$0x100] =	vst v63  }
0x15: {  	_ =	swait.ge [sflag:s6], $0x40  }
0x16: {  	s30 =	sshrl.u32 s13, $0x3;
	[sflag:s6] =	ssyncset.done $0x0  }
0x17: {  	s31 =	sand.u32 $0x7, s13;
	s15 =	sadd.s32 s5, s30;
	[sflag:s6] =	ssyncadd.s32 $0xFFFFFFC0  }
0x18: {  	[hbm4b:s15+s31] =	stream.linear.scatter [tilespmem:s14], [sflag:$0x3], $0x40, $0x38;
	[tilespmem:$0x100] =	vst v63  }
.LBB2_5:
0x19: {  	s15 =	sadd.s32 $0x800, s11  }
0x1a: {  	p2 =	sgt.s32 s15, $0xFFF  }
0x1b: {  	s15 =	smov.u32 @p2 s3;
	p2 =	sne.s32 s12, s9  }
.Ltmp1:
0x1c: {  	p1 =	slt.u32 s12, $0x2;
	(pc) =	sbr.rel @!p2 .LBB2_6-.Ltmp1, $4  }
0x1d: {  	s14 =	simm.s32 @!p1 $0x3  }
0x1e: {  	s16 =	sadd.s32 $0x1, s12;
	_ =	swait.ge @!p1 [sflag:s14], $0x40  }
0x1f: {  	s13 =	smov.u32 s11;
	p0 =	por !p0, !p0;
	[sflag:s14] =	ssyncset.done @!p1 $0x0  }
0x20: {  	s12 =	smov.u32 s16;
	s11 =	smov.u32 s15;
	[sflag:s14] =	ssyncadd.s32 @!p1 $0xFFFFFFC0  }
.LBB2_1:
0x21: {  	p1 =	sge.u32 s12, s8  }
0x22: {  	s14 =	sxor.u32 @!p1 $0xFFFFFFFF, s12  }
0x23: {  	s31 =	sadd.s32 $0xFFFFFFFF, s12;
	s15 =	sshrl.u32 @!p1 s11, $0x3;
	s14 =	sshll.u32 @!p1 s14, $0x6  }
0x24: {  	s16 =	sand.u32 @!p1 $0x7, s11;
	s15 =	sadd.s32 @!p1 s4, s15;
	s14 =	sand.u32 @!p1 $0x40, s14  }
0x25: {  	[tilespmem:s14], [sflag:$0x2] =	stream.linear.gather @!p1 [hbm4b:s15+s16], $0x40, $0x38;
	[tilespmem:$0x100] =	vst v63  }
0x26: {  	p1 =	sge.u32 s31, s8  }
.Ltmp2:
0x27: {  	_ = 	snop;
	(pc) =	sbr.rel @p1 .LBB2_5-.Ltmp2, $1  }
0x28: {  	_ =	sdelay $0x3  }
0x29: {  	s14 =	simm.s32 $0x1  }
0x2a: {  	_ =	swait.ge [sflag:s7], $0x40;
	s14 =	simm.s32 @!p0 $0x0  }
0x2b: {  	[sflag:s7] =	ssyncset.done $0x0;
	s14 =	sshll.u32 s14, $0x6  }
0x2c: {  	[sflag:s7] =	ssyncadd.s32 $0xFFFFFFC0;
	(ifvalue) =	ssetifvalue $0x7FFFFFFF;
	v0 =	vld.msk [tilespmem:s14+$0x0 ss:$0x1], $0xffff;
	_ =	sdelay $0x4  }
0x2d: {  	s15 =	sadd.s32 $0x10, s14;
	vm1 =	vgt.s32 v0, $0x0  }
0x2e: {  	v2 =	vld.msk [tilespmem:s15+$0x0 ss:$0x1], $0xffff;
	v1 =	vnsel vm1, $0x0, v0  }
0x2f: {  	v1 =	vmin.u32 v1, $0xFFF;
	_ =	sdelay $0x1  }
0x30: {  	s16 =	sshll.u32 s12, $0x6;
	s18 =	simm.s32 $0x20  }
0x31: {  	s16 =	sand.u32 $0x40, s16;
	s17 =	sadd.s32 $0x10, s15;
	s15 =	sor.u32 $0x80, s14  }
0x32: {  	s14 =	sor.u32 $0x80, s16;
	s16 =	sadd.s32 $0x10, s15;
	v0 =	vld.msk [tilespmem:s17+$0x0 ss:$0x1], $0xffff;
	vm1 =	vgt.s32 v2, $0x0;
	(ifvalue) =	ssetifvalue $0x7FFFFFFF  }
.LBB2_3:
0x33: {  	[tilespmem:s15], [sflag:$0x1] =	stream.indirect_vreg.gather [hbm4b:s2+s10], $0x1, v1, vm0, $0x4038;
	[tilespmem:$0x100] =	vst v63  }
0x34: {  	s18 =	sadd.s32 $0x10, s18  }
0x35: {  	v2 =	vnsel vm1, $0x0, v2;
	p1 =	slt.u32 s18, $0x30  }
.Ltmp3:
0x36: {  	s15 =	smov.u32 s16;
	v1 =	vmin.u32 v2, $0xFFF;
	(pc) =	sbr.rel @p1 .LBB2_3-.Ltmp3, $3  }
0x37: {  	_ =	sdelay $0x1  }
0x38: {  	s17 =	sadd.s32 $0x10, s17  }
0x39: {  	vm1 =	vgt.s32 v0, $0x0;
	s16 =	sadd.s32 $0x10, s16;
	v2 =	vmov v0;
	(ifvalue) =	ssetifvalue $0x7FFFFFFF;
	v0 =	vld.msk [tilespmem:s17+$0x0 ss:$0x1], $0xffff  }
.Ltmp4:
0x3a: {  	_ = 	snop;
	(pc) =	sbr.rel .LBB2_4-.Ltmp4, $1  }
0x3b: {  	_ =	sdelay $0x3  }
.LBB2_6:
0x3c: {  	_ =	sfence.sel $0x180000  }
0x3d: {  	s2 =	simm.s32 $0x2;
	[bflag:$0x0] =	sbarrier.arrive $0xFFFF  }
0x3e: {  	s30 =	simm.s32 $0x3;
	[sflag:s2] =	ssyncpa.u1 $0x1  }
0x3f: {  	s31 =	simm.s32 $0x1;
	[sflag:s30] =	ssyncpa.u1 $0x1  }
0x40: {  	[sflag:s31] =	ssyncpa.u1 $0x1  }
0x41: {  	p0 =	sne.s32 s0, $0x0;
	_ =	strace $0x9000004A  }
0x42: {  	s0 =	sadd.s32 @!p0 $0x100000, s1;
	[bflag:$0x2] =	sbarrier.arrive $0xFFFF  }
0x43: {  	[sflag:s0] =	ssyncadd.tile.s32 @!p0 $0x1;
	_ =	shalt  }
.Lfunc_end2:
_tile_overlayer_lowered:
.L_overlay_start_2:
0x44: {  	(tag) =	ssettag $0x2  }
0x45: {  	s0 =	rddreg [dreg:$0x0];
	s2 =	stileid.u32  }
0x46: {  	s1 =	rddreg [dreg:$0x1];
	p0 =	sne.s32 s2, $0x0  }
0x47: {  	s3 =	rddreg [dreg:$0x2];
	[bflag:$0x3] =	sbarrier.arrive $0xFFFF;
	s2 =	simm.s32 @!p0 $0x1C01  }
0x48: {  	[timem:s3], [sflag:s2] =	dma.local @!p0 [hbm:s0], s1  }
0x49: {  	s0 =	simm.s32 @!p0 $0x1  }
0x4a: {  	_ =	swait.ge @!p0 [sflag:s0], s1  }
0x4b: {  	s1 =	ssub.s32 @!p0 $0x0, s1;
	[sflag:s0] =	ssyncset.done @!p0 $0x0  }
0x4c: {  	[sflag:s0] =	ssyncadd.s32 @!p0 s1  }
0x4d: {  	[bflag:$0x3] =	sbarrier.arrive $0xFFFF  }
0x4e: {  	_ =	shalt  }

// kernel: gather_offload_async_start.2
scs
__scs_entry_jumppad:
0x0: {  	(pc) =	sbr.rel $0x88, $3  }
0x1: {  	(tag) =	ssettag $0x0;
	lr =	simm.s32 $0x1  }
0x2: {  	[smem:$0x3F9D] =	sst lr;
	_ =	strace $0xD0000000  }
0x3: {  	_ = 	snop  }
0x4: {  	_ = 	snop  }
0x5: {  	_ = 	snop  }
0x6: {  	_ = 	snop  }
0x7: {  	_ = 	snop  }
__scs_overlays_trampoline_lowered:
0x8: {  	[smem:$0x3FAC] =	sst s0  }
0x9: {  	[smem:$0x3FAD] =	sst s1  }
0xa: {  	[smem:$0x3FAE] =	sst s2  }
0xb: {  	[smem:$0x3FAF] =	sst s3  }
0xc: {  	[smem:$0x3FB0] =	sst s4  }
0xd: {  	[smem:$0x3FB1] =	sst s5  }
0xe: {  	[smem:$0x3FB2] =	sst s6  }
0xf: {  	[smem:$0x3FB3] =	sst s7  }
0x10: {  	[smem:$0x3FB4] =	sst s8  }
0x11: {  	[smem:$0x3FB5] =	sst s9;
	s0 =	simm.s32 @!p0 $0x0  }
0x12: {  	s1 =	sld [smem:$0x3F9B];
	s0 =	simm.s32 @p0 $0x1  }
0x13: {  	[smem:$0x3FB6] =	sst s0;
	s0 =	simm.s32 @!p1 $0x0  }
0x14: {  	s2 =	sld [smem:$0x3F9A];
	s0 =	simm.s32 @p1 $0x1  }
0x15: {  	[smem:$0x3FB7] =	sst s0;
	s0 =	simm.s32 @!p2 $0x0  }
0x16: {  	s3 =	sld [smem:$0x3FDB];
	s0 =	simm.s32 @p2 $0x1  }
0x17: {  	s4 =	simm.s32 $0x1BF5;
	[smem:$0x3FB9] =	sst s0  }
0x18: {  	s0 =	sld [smem:$0x3F9C];
	_ =	swait.ge [sflag:s4], $0x0  }
0x19: {  	s7 =	sld [smem:$0x3F9D]  }
0x1a: {  	s8 =	sadd.s32 $0xFFFFE003, lr  }
0x1b: {  	s9 =	sadd.s32 $0xFFFFFEF7, lr;
	s5 =	simm.s32 $0xFFFFFFFF;
	p2 =	slt.u32 s8, $0xFFFFF086  }
0x1c: {  	p1 =	slt.u32 s9, $0xF7A;
	s5 =	simm.s32 @!p2 $0x0  }
0x1d: {  	s5 =	simm.s32 @p1 $0x1;
	p0 =	seq.s32 s7, s2  }
0x1e: {  	s7 =	smul.u32 @!p0 $0xF7A, s2;
	p2 =	seq.s32 @!p0 s5, $0x0  }
0x1f: {  	s9 =	smul.u32 $0xF7A, s1;
	s8 =	simm.s32 @!p0 $0x1BF5;
	p2 =	por !p2, p0  }
0x20: {  	[sflag:s8] =	ssyncset.s32 @!p0 $0xFFFFF086;
	s6 =	sadd.s32 @!p0 s3, s7;
	s7 =	simm.s32 @!p0 $0x108  }
0x21: {  	s3 =	sadd.s32 s3, s9;
	s6 =	sadd.s32 @!p0 $0x88, s6;
	s7 =	simm.s32 @p2 $0x1082  }
0x22: {  	[simem:s7], [sflag:s8] =	dma.local @!p0 [hbm:s6], $0xF7A  }
0x23: {  	s9 =	sor.u32 $0xD0000000, s2;
	s6 =	simm.s32 $0x108;
	_ =	swait.ge @!p0 [sflag:s8], $0x0  }
0x24: {  	s3 =	sadd.s32 $0x88, s3;
	s6 =	simm.s32 @!p1 $0x1082;
	[sflag:s4] =	ssyncset.s32 $0xFFFFF086  }
0x25: {  	[simem:s6], [sflag:s4] =	dma.local [hbm:s3], $0xF7A  }
0x26: {  	[smem:$0x3F9D] =	sst s1;
	(tag) =	ssettag s2;
	_ =	strace s9  }
0x27: {  	s1 =	sld [smem:$0x3FAD]  }
0x28: {  	s2 =	sld [smem:$0x3FAE]  }
0x29: {  	s4 =	sld [smem:$0x3FB0]  }
0x2a: {  	p0 =	seq.s32 s5, $0x0;
	s5 =	sld [smem:$0x3FB1]  }
0x2b: {  	s6 =	sld [smem:$0x3FB2]  }
0x2c: {  	s7 =	sld [smem:$0x3FB3]  }
0x2d: {  	s3 =	simm.s32 $0x108;
	s8 =	sld [smem:$0x3FB4]  }
0x2e: {  	s3 =	simm.s32 @!p0 $0x1082;
	s9 =	sld [smem:$0x3FB5]  }
0x2f: {  	lr =	sadd.s32 s0, s3;
	s0 =	sld [smem:$0x3FAC]  }
0x30: {  	s3 =	sld [smem:$0x3FAF]  }
0x31: {  	[smem:$0x3FB8] =	sst s10  }
0x32: {  	s10 =	sld [smem:$0x3FB6];
	_ =	sdelay $0x3  }
0x33: {  	p0 =	seq.s32 s10, $0x1;
	s10 =	sld [smem:$0x3FB8];
	_ =	sdelay $0x3  }
0x34: {  	[smem:$0x3FB8] =	sst s10  }
0x35: {  	s10 =	sld [smem:$0x3FB7];
	_ =	sdelay $0x3  }
0x36: {  	p1 =	seq.s32 s10, $0x1;
	s10 =	sld [smem:$0x3FB8];
	_ =	sdelay $0x3  }
0x37: {  	[smem:$0x3FB8] =	sst s10  }
0x38: {  	s10 =	sld [smem:$0x3FB9]  }
0x39: {  	_ = 	snop;
	(pc) =	sbr.ind lr, $3  }
0x3a: {  	_ = 	snop  }
0x3b: {  	_ = 	snop  }
0x3c: {  	p2 =	seq.s32 s10, $0x1;
	s10 =	sld [smem:$0x3FB8]  }
0x3d: {  	_ =	shalt  }
0x3e: {  	_ =	shalt  }
0x3f: {  	_ =	shalt  }
0x40: {  	_ =	shalt  }
0x41: {  	_ =	shalt  }
0x42: {  	_ =	shalt  }
0x43: {  	_ =	shalt  }
0x44: {  	_ =	shalt  }
0x45: {  	_ =	shalt  }
0x46: {  	_ =	shalt  }
0x47: {  	_ =	shalt  }
0x48: {  	_ =	shalt  }
0x49: {  	_ =	shalt  }
0x4a: {  	_ =	shalt  }
0x4b: {  	_ =	shalt  }
0x4c: {  	_ =	shalt  }
0x4d: {  	_ =	shalt  }
0x4e: {  	_ =	shalt  }
0x4f: {  	_ =	shalt  }
0x50: {  	_ =	shalt  }
0x51: {  	_ =	shalt  }
0x52: {  	_ =	shalt  }
0x53: {  	_ =	shalt  }
0x54: {  	_ =	shalt  }
0x55: {  	_ =	shalt  }
0x56: {  	_ =	shalt  }
0x57: {  	_ =	shalt  }
0x58: {  	_ =	shalt  }
0x59: {  	_ =	shalt  }
0x5a: {  	_ =	shalt  }
0x5b: {  	_ =	shalt  }
0x5c: {  	_ =	shalt  }
0x5d: {  	_ =	shalt  }
0x5e: {  	_ =	shalt  }
0x5f: {  	_ =	shalt  }
0x60: {  	_ =	shalt  }
0x61: {  	_ =	shalt  }
0x62: {  	_ =	shalt  }
0x63: {  	_ =	shalt  }
0x64: {  	_ =	shalt  }
0x65: {  	_ =	shalt  }
0x66: {  	_ =	shalt  }
0x67: {  	_ =	shalt  }
0x68: {  	_ =	shalt  }
0x69: {  	_ =	shalt  }
0x6a: {  	_ =	shalt  }
0x6b: {  	_ =	shalt  }
0x6c: {  	_ =	shalt  }
0x6d: {  	_ =	shalt  }
0x6e: {  	_ =	shalt  }
0x6f: {  	_ =	shalt  }
0x70: {  	_ =	shalt  }
0x71: {  	_ =	shalt  }
0x72: {  	_ =	shalt  }
0x73: {  	_ =	shalt  }
0x74: {  	_ =	shalt  }
0x75: {  	_ =	shalt  }
0x76: {  	_ =	shalt  }
0x77: {  	_ =	shalt  }
0x78: {  	_ =	shalt  }
0x79: {  	_ =	shalt  }
0x7a: {  	_ =	shalt  }
0x7b: {  	_ =	shalt  }
0x7c: {  	_ =	shalt  }
0x7d: {  	_ =	shalt  }
0x7e: {  	_ =	shalt  }
0x7f: {  	_ =	shalt  }
0x80: {  	_ =	shalt  }
0x81: {  	_ =	shalt  }
0x82: {  	_ =	shalt  }
0x83: {  	_ =	shalt  }
0x84: {  	_ =	shalt  }
0x85: {  	_ =	shalt  }
0x86: {  	_ =	shalt  }
0x87: {  	_ =	shalt  }
.Lfunc_end0:
.L_simem_size_0:
called_computation.2_lowered:
.L_overlay_start_0:
0x88: {  	s2 =	sld [smem:$0x3FD9]  }
0x89: {  	s3 =	sld [smem:$0x3FFE];
	_ =	sdelay $0x1  }
0x8a: {  	s1 =	srdreg.scid  }
0x8b: {  	s0 =	sand.u32 $0x1, s1  }
0x8c: {  	s14 =	sshll.u32 s0, $0xA;
	s2 =	sadd.s32 s3, s2  }
0x8d: {  	s2 =	sadd.s32 s2, s14  }
0x8e: {  	[smem:$0x3FC4] =	sst s2  }
0x8f: {  	_ = 	snop  }
0x90: {  	s2 =	sld [smem:$0x3FD0];
	_ =	sdelay $0x2  }
0x91: {  	s15 =	simm.s32 $0xB;
	s4 =	simm.s32 $0x10  }
0x92: {  	[smem:s4], [sflag:s15] =	dma.local [hbm:s2], $0x1  }
0x93: {  	_ =	swait.eq [sflag:s15], $0x1  }
0x94: {  	[sflag:s15] =	ssyncset.done $0x0  }
0x95: {  	[sflag:s15] =	ssyncadd.s32 $0xFFFFFFFF  }
0x96: {  	s16 =	sld [smem:$0x11];
	(tm) =	ssettm $0x1  }
0x97: {  	s17 =	sld [smem:$0x3FFB];
	_ =	sdelay $0x3  }
0x98: {  	_ =	strace s17  }
0x99: {  	s3 =	sld [smem:$0x3FFC];
	_ =	sdelay $0x3  }
0x9a: {  	_ =	strace s3  }
0x9b: {  	s3 =	sld [smem:$0x3FFD];
	_ =	sdelay $0x3  }
0x9c: {  	_ =	strace s3  }
0x9d: {  	_ =	strace $0x8FFFFFFF  }
0x9e: {  	s18 =	sld [smem:$0x3FDB];
	_ =	sdelay $0x1  }
0x9f: {  	s19 =	simm.s32 $_scs_section_size  }
0xa0: {  	s5 =	simm.s32 $_size__tile_overlayer_lowered;
	s6 =	simm.s32 $_tile_overlayer_lowered  }
0xa1: {  	s22 =	simm.s32 $0x1BFF;
	s21 =	sshll.u32 s6, $0x1;
	s3 =	sadd.s32 s19, s18  }
0xa2: {  	s7 =	simm.s32 $0x0;
	s20 =	sshll.u32 s5, $0x1;
	s5 =	sadd.s32 s21, s3  }
0xa3: {  	[timem:s7], [sflag:s22] =	dma.local [hbm:s5], s20  }
0xa4: {  	_ =	swait.ge [sflag:s22], s20  }
0xa5: {  	s4 =	ssub.s32 $0x0, s20;
	[sflag:s22] =	ssyncset.done $0x0  }
0xa6: {  	[sflag:s22] =	ssyncadd.s32 s4;
	_ =	sdelay $0x1  }
0xa7: {  	s23 =	simm.s32 $0x1B8B  }
0xa8: {  	_ =	swait.ge [sflag:s23], $0x1  }
0xa9: {  	[sflag:s23] =	ssyncset.done $0x0  }
0xaa: {  	s25 =	simm.s32 $0x1B8E;
	s24 =	sld [smem:$0x3FFE];
	[sflag:s23] =	ssyncadd.s32 $0xFFFFFFFF  }
0xab: {  	s26 =	simm.s32 $execute0_lowered;
	[smem:$0x3FD2] =	sst s25  }
0xac: {  	s5 =	sshll.u32 s26, $0x1;
	_ =	strace $0x8000004C;
	[dreg:$0x1] =	wrdreg $0xFFFFFFFF  }
0xad: {  	s28 =	simm.s32 $_size_execute0_lowered;
	s3 =	sadd.s32 s3, s5;
	[dreg:$0x0] =	wrdreg $0x0  }
0xae: {  	s5 =	sshll.u32 s28, $0x1;
	[dreg:$0x2] =	wrdreg s3  }
0xaf: {  	[dreg:$0x3] =	wrdreg s5  }
0xb0: {  	[dreg:$0x4] =	wrdreg $0xC0  }
0xb1: {  	_ =	task [dreg:s7], $0x5FFFF  }
0xb2: {  	[dreg:$0x1] =	wrdreg $0xFFFFFFFF  }
0xb3: {  	[dreg:$0x0] =	wrdreg $0x60  }
0xb4: {  	[dreg:$0x2] =	wrdreg s24  }
0xb5: {  	[dreg:$0x3] =	wrdreg s16  }
0xb6: {  	[dreg:$0x4] =	wrdreg $0x9  }
0xb7: {  	_ =	task.clear_ibuf [dreg:s7], $0x5FFFF;
	_ =	strace $0x9000004C  }
0xb8: {  	s29 =	simm.s32 $0x9;
	_ =	strace $0x8000004E  }
0xb9: {  	_ =	swait.ge [sflag:s29], $0x1  }
0xba: {  	[sflag:s29] =	ssyncadd.s32 $0xFFFFFFFF  }
0xbb: {  	_ =	strace $0x9000004E  }
0xbc: {  	_ =	sfence  }
0xbd: {  	s30 =	sld [smem:$0x0];
	_ =	sdelay $0x2  }
0xbe: {  	s31 =	sshll.u32 s1, $0xD;
	s1 =	sshrl.u32 s1, $0x2  }
0xbf: {  	s3 =	sand.u32 $0x4000, s31;
	s1 =	sadd.s32 s1, s30  }
0xc0: {  	s0 =	sor.u32 s3, s0;
	s1 =	sshll.u32 s1, $0x11  }
0xc1: {  	s0 =	sor.u32 s1, s0  }
0xc2: {  	s0 =	sadd.s32 $0x8F2B, s0  }
0xc3: {  	[sflag:s0] =	ssyncadd.remote.s32 $0x1  }
0xc4: {  	_ =	sfence.sel $0xFFFF  }
0xc5: {  	[dreg:$0x0] =	wrdreg $0xFFFFFFFF;
	(pc) =	sbr.abs _section_cstart, $3  }
0xc6: {  	[dreg:$0x1] =	wrdreg $0xFFFFFFFF  }
0xc7: {  	_ =	task.clear_ibuf [dreg:s7], $0x2FFFF;
	_ =	strace $0x9FFFFFFF  }
0xc8: {  	(tm) =	ssettm $0x7FFFFFFF  }
0xc9: {  	_ =	shalt  }
tec
execute0_lowered:
.L_overlay_start_1:
0x0: {  	(tag) =	ssettag $0x1  }
0x1: {  	s2 =	rddreg [dreg:$0x0]  }
0x2: {  	s3 =	rddreg [dreg:$0x1]  }
0x3: {  	s0 =	rddreg [dreg:$0x2];
	s1 =	srdreg.scid;
	_ =	strace $0x8000004D  }
0x4: {  	s4 =	simm.s32 $0x1;
	s9 =	simm.s32 $0x3;
	s5 =	sshll.u32 s1, $0x4  }
.Ltmp0:
0x5: {  	s1 =	stileid.u32;
	s5 =	sand.u32 $0x10, s5;
	(pc) =	sbr.rel .LBB2_1-.Ltmp0, $4  }
0x6: {  	s11 =	simm.s32 $0x0;
	p0 =	por $0x0, $0x0;
	s6 =	sor.u32 s1, s5  }
0x7: {  	[sflag:s4] =	ssyncpa.u1 $0x0;
	s5 =	simm.s32 $0x2;
	s6 =	sshll.u32 s6, $0x7  }
0x8: {  	s7 =	sadd.s32 $0x80600, s2;
	[sflag:s5] =	ssyncpa.u1 $0x0;
	s8 =	sadd.s32 $0x80, s6  }
0x9: {  	vm0 =	vmmov $0xff;
	vm1 =	vcmask $0x3F20;
	[sflag:s9] =	ssyncpa.u1 $0x0;
	s10 =	smov.u32 s6;
	s9 =	simm.s32 $0x0  }
.LBB2_9:
0xa: {  	p1 =	slt.u32 s9, $0x2;
	s11 =	sadd.s32 $0x20, s10  }
0xb: {  	s13 =	smov.u32 s6;
	s9 =	sadd.s32 $0x1, s9;
	p2 =	slt.s32 s11, s8  }
0xc: {  	s13 =	smov.u32 @p2 s11;
	p2 =	sne.s32 s9, $0x6  }
.Ltmp1:
0xd: {  	_ = 	snop;
	(pc) =	sbr.rel @!p2 .LBB2_10-.Ltmp1, $4  }
0xe: {  	s12 =	simm.s32 @!p1 $0x3  }
0xf: {  	_ =	swait.ge @!p1 [sflag:s12], $0x8000  }
0x10: {  	p0 =	por !p0, !p0;
	[sflag:s12] =	ssyncset.done @!p1 $0x0  }
0x11: {  	s11 =	smov.u32 s10;
	s10 =	smov.u32 s13;
	[sflag:s12] =	ssyncadd.s32 @!p1 $0xFFFF8000  }
.LBB2_1:
0x12: {  	p1 =	sgt.u32 s9, $0x3  }
0x13: {  	s12 =	sxor.u32 @!p1 $0xFFFFFFFF, s9  }
0x14: {  	s13 =	sshrl.u32 @!p1 s10, $0x3;
	s12 =	sshll.u32 @!p1 s12, $0x5  }
0x15: {  	s14 =	sand.u32 @!p1 $0x7, s10;
	s13 =	sadd.s32 @!p1 s7, s13;
	s12 =	sand.u32 @!p1 $0x20, s12  }
0x16: {  	[tilespmem:s12], [sflag:$0x2] =	stream.linear.gather @!p1 [hbm4b:s13+s14], $0x20, $0x38;
	[tilespmem:$0x10040] =	vst v63  }
0x17: {  	p1 =	seq.s32 s9, $0x0  }
0x18: {  	p2 =	seq.s32 @!p1 s9, $0x5  }
0x19: {  	p1 =	por p1, p2  }
.Ltmp2:
0x1a: {  	_ = 	snop;
	(pc) =	sbr.rel @p1 .LBB2_9-.Ltmp2, $1  }
0x1b: {  	_ =	sdelay $0x3  }
0x1c: {  	s12 =	simm.s32 $0x1  }
0x1d: {  	_ =	swait.ge [sflag:s5], $0x20;
	s13 =	sand.u32 $0x1, s9;
	s12 =	simm.s32 @!p0 $0x0  }
0x1e: {  	s15 =	simm.s32 $0x0;
	p2 =	por $0x1, $0x1;
	s12 =	sshll.u32 s12, $0x11  }
0x1f: {  	[sflag:s5] =	ssyncset.done $0x0;
	s13 =	sshll.u32 s13, $0x5;
	s14 =	sshrl.u32 s12, $0x2  }
0x20: {  	[sflag:s5] =	ssyncadd.s32 $0xFFFFFFE0;
	s12 =	sor.u32 $0x40, s14;
	s14 =	sadd.s32 $0x40, s14  }
.LBB2_3:
0x21: {  	s16 =	sshll.u32 s15, $0x4  }
0x22: {  	s16 =	sand.u32 $0x3FFFFFF0, s16  }
0x23: {  	s16 =	sadd.s32 s16, s13  }
0x24: {  	v0 =	vld.msk [tilespmem:s16+$0x0 ss:$0x1], $0xffff;
	_ =	sdelay $0x4  }
0x25: {  	vm2 =	vgt.s32 v0, $0x0  }
0x26: {  	v0 =	vnsel vm2, $0x0, v0  }
0x27: {  	v0 =	vmin.u32 v0, $0xFFF  }
0x28: {  	v1 =	vshll.u32 v0, $0x7;
	v0 =	vshll.u32 v0, $0x4  }
0x29: {  	v1 =	vand.u32 $0x7FC00, v1;
	v0 =	vand.u32 $0x70, v0  }
0x2a: {  	v0 =	vor.u32 v0, v1  }
0x2b: {  	s31 =	sshll.u32 s15, $0x10  }
0x2c: {  	s15 =	sshra.s32 s31, $0x2  }
0x2d: {  	s15 =	sadd.s32 s15, s14  }
0x2e: {  	s17 =	sadd.s32 $0x0, s15  }
0x2f: {  	[tilespmem:s17], [sflag:$0x1] =	stream.indirect_vreg.gather [hbm:s2], $0x80, v0, vm0, $0x38;
	[tilespmem:$0x10040] =	vst v63  }
0x30: {  	p1 =	por p2, p2;
	s16 =	simm.s32 $0x1000;
	v1 =	vadd.s32 $0x80, v0;
	s17 =	sadd.s32 $0x2000, s17  }
.LBB2_4:
0x31: {  	[tilespmem:s17], [sflag:$0x1] =	stream.indirect_vreg.gather [hbm:s2], $0x80, v0, vm1, $0x38;
	[tilespmem:$0x10040] =	vst v63  }
0x32: {  	v0 =	vmov v1;
	s17 =	smov.u32 s16;
	p2 =	sne.s32 s16, $0x7000  }
.Ltmp3:
0x33: {  	s16 =	sadd.s32 $0x1000, s16;
	(pc) =	sbr.rel @p2 .LBB2_4-.Ltmp3, $4  }
0x34: {  	s17 =	sshra.s32 s17, $0x2  }
0x35: {  	s17 =	sadd.s32 s17, s15  }
0x36: {  	[tilespmem:s17], [sflag:$0x1] =	stream.indirect_vreg.gather [hbm:s2], $0x80, v1, vm0, $0x38;
	[tilespmem:$0x10040] =	vst v63  }
0x37: {  	s17 =	sadd.s32 $0x2000, s17;
	v1 =	vadd.s32 $0x80, v1  }
0x38: {  	_ = 	snop  }
.Ltmp4:
0x39: {  	_ = 	snop;
	(pc) =	sbr.rel @p1 .LBB2_3-.Ltmp4, $3  }
0x3a: {  	_ =	sdelay $0x1  }
0x3b: {  	[tilespmem:s17], [sflag:$0x1] =	stream.indirect_vreg.gather [hbm:s2], $0x80, v0, vm1, $0x38;
	[tilespmem:$0x10040] =	vst v63  }
0x3c: {  	s15 =	simm.s32 $0x1;
	p2 =	por $0x0, $0x0  }
0x3d: {  	s13 =	sshll.u32 s11, $0x7  }
0x3e: {  	s31 =	sshll.u32 s11, $0x4;
	s13 =	sand.u32 $0xFFFFFC00, s13  }
0x3f: {  	_ =	swait.ge [sflag:s4], $0x8000;
	s11 =	sand.u32 $0x70, s31;
	s13 =	sadd.s32 s13, s3  }
0x40: {  	s14 =	sadd.s32 $0x2000, s12;
	[sflag:s4] =	ssyncset.done $0x0;
	s11 =	sadd.s32 s11, s13  }
0x41: {  	[sflag:s4] =	ssyncadd.s32 $0xFFFF8000;
	s13 =	simm.s32 $0x400;
	s15 =	sadd.s32 $0x0, s11  }
.LBB2_7:
0x42: {  	[hbm:s15] =	stream.linear.scatter [tilespmem:s12], [sflag:$0x3], $0x2000, $0x38;
	[tilespmem:$0x10040] =	vst v63  }
0x43: {  	s15 =	smov.u32 s13;
	s12 =	smov.u32 s14;
	p1 =	sne.s32 s13, $0xC00  }
.Ltmp5:
0x44: {  	s13 =	sadd.s32 $0x400, s13;
	(pc) =	sbr.rel @p1 .LBB2_7-.Ltmp5, $2  }
0x45: {  	_ =	sdelay $0x2  }
0x46: {  	s14 =	sadd.s32 $0x2000, s14;
	s15 =	sadd.s32 s15, s11  }
.Ltmp6:
0x47: {  	(pc) =	sbr.rel .LBB2_9-.Ltmp6, $2  }
0x48: {  	_ =	sdelay $0x2  }
0x49: {  	[hbm:s15] =	stream.linear.scatter [tilespmem:s12], [sflag:$0x3], $0x2000, $0x38;
	[tilespmem:$0x10040] =	vst v63  }
.LBB2_10:
0x4a: {  	_ =	sfence.sel $0x180000  }
0x4b: {  	s2 =	simm.s32 $0x2;
	[bflag:$0x0] =	sbarrier.arrive $0xFFFF  }
0x4c: {  	s30 =	simm.s32 $0x3;
	[sflag:s2] =	ssyncpa.u1 $0x1  }
0x4d: {  	s31 =	simm.s32 $0x1;
	[sflag:s30] =	ssyncpa.u1 $0x1  }
0x4e: {  	[sflag:s31] =	ssyncpa.u1 $0x1  }
0x4f: {  	p0 =	sne.s32 s1, $0x0;
	_ =	strace $0x9000004D  }
0x50: {  	s0 =	sadd.s32 @!p0 $0x100000, s0;
	[bflag:$0x2] =	sbarrier.arrive $0xFFFF  }
0x51: {  	[sflag:s0] =	ssyncadd.tile.s32 @!p0 $0x1;
	_ =	shalt  }
.Lfunc_end2:
_tile_overlayer_lowered:
.L_overlay_start_2:
0x52: {  	(tag) =	ssettag $0x2  }
0x53: {  	s0 =	rddreg [dreg:$0x0];
	s2 =	stileid.u32  }
0x54: {  	s1 =	rddreg [dreg:$0x1];
	p0 =	sne.s32 s2, $0x0  }
0x55: {  	s3 =	rddreg [dreg:$0x2];
	[bflag:$0x3] =	sbarrier.arrive $0xFFFF;
	s2 =	simm.s32 @!p0 $0x1C01  }
0x56: {  	[timem:s3], [sflag:s2] =	dma.local @!p0 [hbm:s0], s1  }
0x57: {  	s0 =	simm.s32 @!p0 $0x1  }
0x58: {  	_ =	swait.ge @!p0 [sflag:s0], s1  }
0x59: {  	s1 =	ssub.s32 @!p0 $0x0, s1;
	[sflag:s0] =	ssyncset.done @!p0 $0x0  }
0x5a: {  	[sflag:s0] =	ssyncadd.s32 @!p0 s1  }
0x5b: {  	[bflag:$0x3] =	sbarrier.arrive $0xFFFF  }
0x5c: {  	_ =	shalt  }

// kernel: gather_offload_async_start
scs
__scs_entry_jumppad:
0x0: {  	(pc) =	sbr.rel $0x88, $3  }
0x1: {  	(tag) =	ssettag $0x0;
	lr =	simm.s32 $0x1  }
0x2: {  	[smem:$0x3F9D] =	sst lr;
	_ =	strace $0xD0000000  }
0x3: {  	_ = 	snop  }
0x4: {  	_ = 	snop  }
0x5: {  	_ = 	snop  }
0x6: {  	_ = 	snop  }
0x7: {  	_ = 	snop  }
__scs_overlays_trampoline_lowered:
0x8: {  	[smem:$0x3FAC] =	sst s0  }
0x9: {  	[smem:$0x3FAD] =	sst s1  }
0xa: {  	[smem:$0x3FAE] =	sst s2  }
0xb: {  	[smem:$0x3FAF] =	sst s3  }
0xc: {  	[smem:$0x3FB0] =	sst s4  }
0xd: {  	[smem:$0x3FB1] =	sst s5  }
0xe: {  	[smem:$0x3FB2] =	sst s6  }
0xf: {  	[smem:$0x3FB3] =	sst s7  }
0x10: {  	[smem:$0x3FB4] =	sst s8  }
0x11: {  	[smem:$0x3FB5] =	sst s9;
	s0 =	simm.s32 @!p0 $0x0  }
0x12: {  	s1 =	sld [smem:$0x3F9B];
	s0 =	simm.s32 @p0 $0x1  }
0x13: {  	[smem:$0x3FB6] =	sst s0;
	s0 =	simm.s32 @!p1 $0x0  }
0x14: {  	s2 =	sld [smem:$0x3F9A];
	s0 =	simm.s32 @p1 $0x1  }
0x15: {  	[smem:$0x3FB7] =	sst s0;
	s0 =	simm.s32 @!p2 $0x0  }
0x16: {  	s3 =	sld [smem:$0x3FDB];
	s0 =	simm.s32 @p2 $0x1  }
0x17: {  	s4 =	simm.s32 $0x1BF5;
	[smem:$0x3FB9] =	sst s0  }
0x18: {  	s0 =	sld [smem:$0x3F9C];
	_ =	swait.ge [sflag:s4], $0x0  }
0x19: {  	s7 =	sld [smem:$0x3F9D]  }
0x1a: {  	s8 =	sadd.s32 $0xFFFFE003, lr  }
0x1b: {  	s9 =	sadd.s32 $0xFFFFFEF7, lr;
	s5 =	simm.s32 $0xFFFFFFFF;
	p2 =	slt.u32 s8, $0xFFFFF086  }
0x1c: {  	p1 =	slt.u32 s9, $0xF7A;
	s5 =	simm.s32 @!p2 $0x0  }
0x1d: {  	s5 =	simm.s32 @p1 $0x1;
	p0 =	seq.s32 s7, s2  }
0x1e: {  	s7 =	smul.u32 @!p0 $0xF7A, s2;
	p2 =	seq.s32 @!p0 s5, $0x0  }
0x1f: {  	s9 =	smul.u32 $0xF7A, s1;
	s8 =	simm.s32 @!p0 $0x1BF5;
	p2 =	por !p2, p0  }
0x20: {  	[sflag:s8] =	ssyncset.s32 @!p0 $0xFFFFF086;
	s6 =	sadd.s32 @!p0 s3, s7;
	s7 =	simm.s32 @!p0 $0x108  }
0x21: {  	s3 =	sadd.s32 s3, s9;
	s6 =	sadd.s32 @!p0 $0x88, s6;
	s7 =	simm.s32 @p2 $0x1082  }
0x22: {  	[simem:s7], [sflag:s8] =	dma.local @!p0 [hbm:s6], $0xF7A  }
0x23: {  	s9 =	sor.u32 $0xD0000000, s2;
	s6 =	simm.s32 $0x108;
	_ =	swait.ge @!p0 [sflag:s8], $0x0  }
0x24: {  	s3 =	sadd.s32 $0x88, s3;
	s6 =	simm.s32 @!p1 $0x1082;
	[sflag:s4] =	ssyncset.s32 $0xFFFFF086  }
0x25: {  	[simem:s6], [sflag:s4] =	dma.local [hbm:s3], $0xF7A  }
0x26: {  	[smem:$0x3F9D] =	sst s1;
	(tag) =	ssettag s2;
	_ =	strace s9  }
0x27: {  	s1 =	sld [smem:$0x3FAD]  }
0x28: {  	s2 =	sld [smem:$0x3FAE]  }
0x29: {  	s4 =	sld [smem:$0x3FB0]  }
0x2a: {  	p0 =	seq.s32 s5, $0x0;
	s5 =	sld [smem:$0x3FB1]  }
0x2b: {  	s6 =	sld [smem:$0x3FB2]  }
0x2c: {  	s7 =	sld [smem:$0x3FB3]  }
0x2d: {  	s3 =	simm.s32 $0x108;
	s8 =	sld [smem:$0x3FB4]  }
0x2e: {  	s3 =	simm.s32 @!p0 $0x1082;
	s9 =	sld [smem:$0x3FB5]  }
0x2f: {  	lr =	sadd.s32 s0, s3;
	s0 =	sld [smem:$0x3FAC]  }
0x30: {  	s3 =	sld [smem:$0x3FAF]  }
0x31: {  	[smem:$0x3FB8] =	sst s10  }
0x32: {  	s10 =	sld [smem:$0x3FB6];
	_ =	sdelay $0x3  }
0x33: {  	p0 =	seq.s32 s10, $0x1;
	s10 =	sld [smem:$0x3FB8];
	_ =	sdelay $0x3  }
0x34: {  	[smem:$0x3FB8] =	sst s10  }
0x35: {  	s10 =	sld [smem:$0x3FB7];
	_ =	sdelay $0x3  }
0x36: {  	p1 =	seq.s32 s10, $0x1;
	s10 =	sld [smem:$0x3FB8];
	_ =	sdelay $0x3  }
0x37: {  	[smem:$0x3FB8] =	sst s10  }
0x38: {  	s10 =	sld [smem:$0x3FB9]  }
0x39: {  	_ = 	snop;
	(pc) =	sbr.ind lr, $3  }
0x3a: {  	_ = 	snop  }
0x3b: {  	_ = 	snop  }
0x3c: {  	p2 =	seq.s32 s10, $0x1;
	s10 =	sld [smem:$0x3FB8]  }
0x3d: {  	_ =	shalt  }
0x3e: {  	_ =	shalt  }
0x3f: {  	_ =	shalt  }
0x40: {  	_ =	shalt  }
0x41: {  	_ =	shalt  }
0x42: {  	_ =	shalt  }
0x43: {  	_ =	shalt  }
0x44: {  	_ =	shalt  }
0x45: {  	_ =	shalt  }
0x46: {  	_ =	shalt  }
0x47: {  	_ =	shalt  }
0x48: {  	_ =	shalt  }
0x49: {  	_ =	shalt  }
0x4a: {  	_ =	shalt  }
0x4b: {  	_ =	shalt  }
0x4c: {  	_ =	shalt  }
0x4d: {  	_ =	shalt  }
0x4e: {  	_ =	shalt  }
0x4f: {  	_ =	shalt  }
0x50: {  	_ =	shalt  }
0x51: {  	_ =	shalt  }
0x52: {  	_ =	shalt  }
0x53: {  	_ =	shalt  }
0x54: {  	_ =	shalt  }
0x55: {  	_ =	shalt  }
0x56: {  	_ =	shalt  }
0x57: {  	_ =	shalt  }
0x58: {  	_ =	shalt  }
0x59: {  	_ =	shalt  }
0x5a: {  	_ =	shalt  }
0x5b: {  	_ =	shalt  }
0x5c: {  	_ =	shalt  }
0x5d: {  	_ =	shalt  }
0x5e: {  	_ =	shalt  }
0x5f: {  	_ =	shalt  }
0x60: {  	_ =	shalt  }
0x61: {  	_ =	shalt  }
0x62: {  	_ =	shalt  }
0x63: {  	_ =	shalt  }
0x64: {  	_ =	shalt  }
0x65: {  	_ =	shalt  }
0x66: {  	_ =	shalt  }
0x67: {  	_ =	shalt  }
0x68: {  	_ =	shalt  }
0x69: {  	_ =	shalt  }
0x6a: {  	_ =	shalt  }
0x6b: {  	_ =	shalt  }
0x6c: {  	_ =	shalt  }
0x6d: {  	_ =	shalt  }
0x6e: {  	_ =	shalt  }
0x6f: {  	_ =	shalt  }
0x70: {  	_ =	shalt  }
0x71: {  	_ =	shalt  }
0x72: {  	_ =	shalt  }
0x73: {  	_ =	shalt  }
0x74: {  	_ =	shalt  }
0x75: {  	_ =	shalt  }
0x76: {  	_ =	shalt  }
0x77: {  	_ =	shalt  }
0x78: {  	_ =	shalt  }
0x79: {  	_ =	shalt  }
0x7a: {  	_ =	shalt  }
0x7b: {  	_ =	shalt  }
0x7c: {  	_ =	shalt  }
0x7d: {  	_ =	shalt  }
0x7e: {  	_ =	shalt  }
0x7f: {  	_ =	shalt  }
0x80: {  	_ =	shalt  }
0x81: {  	_ =	shalt  }
0x82: {  	_ =	shalt  }
0x83: {  	_ =	shalt  }
0x84: {  	_ =	shalt  }
0x85: {  	_ =	shalt  }
0x86: {  	_ =	shalt  }
0x87: {  	_ =	shalt  }
.Lfunc_end0:
.L_simem_size_0:
called_computation_lowered:
.L_overlay_start_0:
0x88: {  	s2 =	sld [smem:$0x3FD9]  }
0x89: {  	s3 =	sld [smem:$0x3FFE];
	_ =	sdelay $0x1  }
0x8a: {  	s1 =	srdreg.scid  }
0x8b: {  	s0 =	sand.u32 $0x1, s1  }
0x8c: {  	s17 =	sshll.u32 s0, $0xA;
	s2 =	sadd.s32 s3, s2  }
0x8d: {  	s2 =	sadd.s32 s2, s17  }
0x8e: {  	[smem:$0x3FC4] =	sst s2  }
0x8f: {  	_ = 	snop  }
0x90: {  	s2 =	sld [smem:$0x3FC9];
	(tm) =	ssettm $0x1  }
0x91: {  	s18 =	sld [smem:$0x3FFB];
	_ =	sdelay $0x3  }
0x92: {  	_ =	strace s18  }
0x93: {  	s3 =	sld [smem:$0x3FFC];
	_ =	sdelay $0x3  }
0x94: {  	_ =	strace s3  }
0x95: {  	s3 =	sld [smem:$0x3FFD];
	_ =	sdelay $0x3  }
0x96: {  	_ =	strace s3  }
0x97: {  	_ =	strace $0x8FFFFFFF  }
0x98: {  	s19 =	sld [smem:$0x3FDB];
	_ =	sdelay $0x1  }
0x99: {  	s4 =	simm.s32 $_scs_section_size  }
0x9a: {  	s5 =	simm.s32 $_size__tile_overlayer_lowered;
	s6 =	simm.s32 $_tile_overlayer_lowered  }
0x9b: {  	s22 =	simm.s32 $0x1BFF;
	s21 =	sshll.u32 s6, $0x1;
	s3 =	sadd.s32 s4, s19  }
0x9c: {  	s7 =	simm.s32 $0x0;
	s20 =	sshll.u32 s5, $0x1;
	s5 =	sadd.s32 s21, s3  }
0x9d: {  	[timem:s7], [sflag:s22] =	dma.local [hbm:s5], s20  }
0x9e: {  	_ =	swait.ge [sflag:s22], s20  }
0x9f: {  	s4 =	ssub.s32 $0x0, s20;
	[sflag:s22] =	ssyncset.done $0x0  }
0xa0: {  	[sflag:s22] =	ssyncadd.s32 s4;
	_ =	sdelay $0x1  }
0xa1: {  	s23 =	simm.s32 $0x1B8B  }
0xa2: {  	_ =	swait.ge [sflag:s23], $0x1  }
0xa3: {  	[sflag:s23] =	ssyncset.done $0x0  }
0xa4: {  	s25 =	simm.s32 $0x1B8E;
	s24 =	sld [smem:$0x3FFE];
	[sflag:s23] =	ssyncadd.s32 $0xFFFFFFFF  }
0xa5: {  	s26 =	simm.s32 $execute0_lowered;
	[smem:$0x3FD2] =	sst s25  }
0xa6: {  	s5 =	sshll.u32 s26, $0x1;
	_ =	strace $0x80000046;
	[dreg:$0x1] =	wrdreg $0xFFFFFFFF  }
0xa7: {  	s28 =	simm.s32 $_size_execute0_lowered;
	s3 =	sadd.s32 s3, s5;
	[dreg:$0x0] =	wrdreg $0x0  }
0xa8: {  	s5 =	sshll.u32 s28, $0x1;
	[dreg:$0x2] =	wrdreg s3  }
0xa9: {  	[dreg:$0x3] =	wrdreg s5  }
0xaa: {  	[dreg:$0x4] =	wrdreg $0xC0  }
0xab: {  	_ =	task [dreg:s7], $0x5FFFF  }
0xac: {  	[dreg:$0x1] =	wrdreg $0xFFFFFFFF  }
0xad: {  	[dreg:$0x0] =	wrdreg $0x60  }
0xae: {  	[dreg:$0x2] =	wrdreg s2  }
0xaf: {  	[dreg:$0x3] =	wrdreg s24  }
0xb0: {  	[dreg:$0x4] =	wrdreg $0x9  }
0xb1: {  	_ =	task.clear_ibuf [dreg:s7], $0x5FFFF;
	_ =	strace $0x90000046  }
0xb2: {  	s29 =	simm.s32 $0x9;
	_ =	strace $0x80000048  }
0xb3: {  	_ =	swait.ge [sflag:s29], $0x1  }
0xb4: {  	[sflag:s29] =	ssyncadd.s32 $0xFFFFFFFF  }
0xb5: {  	_ =	strace $0x90000048  }
0xb6: {  	_ =	sfence  }
0xb7: {  	s30 =	sld [smem:$0x0];
	_ =	sdelay $0x2  }
0xb8: {  	s31 =	sshll.u32 s1, $0xD;
	s1 =	sshrl.u32 s1, $0x2  }
0xb9: {  	s3 =	sand.u32 $0x4000, s31;
	s1 =	sadd.s32 s1, s30  }
0xba: {  	s0 =	sor.u32 s3, s0;
	s1 =	sshll.u32 s1, $0x11  }
0xbb: {  	s0 =	sor.u32 s1, s0  }
0xbc: {  	s0 =	sadd.s32 $0x8F2B, s0  }
0xbd: {  	[sflag:s0] =	ssyncadd.remote.s32 $0x1  }
0xbe: {  	_ =	sfence.sel $0xFFFF  }
0xbf: {  	[dreg:$0x0] =	wrdreg $0xFFFFFFFF;
	(pc) =	sbr.abs _section_cstart, $3  }
0xc0: {  	[dreg:$0x1] =	wrdreg $0xFFFFFFFF  }
0xc1: {  	_ =	task.clear_ibuf [dreg:s7], $0x2FFFF;
	_ =	strace $0x9FFFFFFF  }
0xc2: {  	(tm) =	ssettm $0x7FFFFFFF  }
0xc3: {  	_ =	shalt  }
tec
execute0_lowered:
.L_overlay_start_1:
0x0: {  	(tag) =	ssettag $0x1  }
0x1: {  	s2 =	rddreg [dreg:$0x0]  }
0x2: {  	s7 =	rddreg [dreg:$0x1]  }
0x3: {  	s0 =	rddreg [dreg:$0x2]  }
0x4: {  	s1 =	srdreg.scid;
	_ =	strace $0x80000047;
	s4 =	simm.s32 $0x1  }
0x5: {  	s9 =	simm.s32 $0x3;
	s11 =	simm.s32 $0x0;
	s5 =	sshll.u32 s1, $0x4  }
.Ltmp0:
0x6: {  	s1 =	stileid.u32;
	s5 =	sand.u32 $0x10, s5;
	(pc) =	sbr.rel .LBB2_1-.Ltmp0, $4  }
0x7: {  	p0 =	por $0x0, $0x0;
	s3 =	sadd.s32 $0x200, s7;
	s6 =	sor.u32 s1, s5  }
0x8: {  	[sflag:s4] =	ssyncpa.u1 $0x0;
	s5 =	simm.s32 $0x2;
	s6 =	sshll.u32 s6, $0x7  }
0x9: {  	s7 =	sadd.s32 $0x400, s7;
	[sflag:s5] =	ssyncpa.u1 $0x0;
	s8 =	sadd.s32 $0x80, s6  }
0xa: {  	vm0 =	vmmov $0xff;
	vm1 =	vcmask $0x3F20;
	[sflag:s9] =	ssyncpa.u1 $0x0;
	s10 =	smov.u32 s6;
	s9 =	simm.s32 $0x0  }
.LBB2_9:
0xb: {  	p1 =	slt.u32 s9, $0x2;
	s11 =	sadd.s32 $0x20, s10  }
0xc: {  	s13 =	smov.u32 s6;
	s9 =	sadd.s32 $0x1, s9;
	p2 =	slt.s32 s11, s8  }
0xd: {  	s13 =	smov.u32 @p2 s11;
	p2 =	sne.s32 s9, $0x6  }
.Ltmp1:
0xe: {  	_ = 	snop;
	(pc) =	sbr.rel @!p2 .LBB2_10-.Ltmp1, $4  }
0xf: {  	s12 =	simm.s32 @!p1 $0x3  }
0x10: {  	_ =	swait.ge @!p1 [sflag:s12], $0x8000  }
0x11: {  	p0 =	por !p0, !p0;
	[sflag:s12] =	ssyncset.done @!p1 $0x0  }
0x12: {  	s11 =	smov.u32 s10;
	s10 =	smov.u32 s13;
	[sflag:s12] =	ssyncadd.s32 @!p1 $0xFFFF8000  }
.LBB2_1:
0x13: {  	p1 =	sgt.u32 s9, $0x3  }
0x14: {  	s12 =	sxor.u32 @!p1 $0xFFFFFFFF, s9  }
0x15: {  	s13 =	sshrl.u32 @!p1 s10, $0x3;
	s12 =	sshll.u32 @!p1 s12, $0x5  }
0x16: {  	s14 =	sand.u32 @!p1 $0x7, s10;
	s13 =	sadd.s32 @!p1 s3, s13;
	s12 =	sand.u32 @!p1 $0x20, s12  }
0x17: {  	[tilespmem:s12], [sflag:$0x2] =	stream.linear.gather @!p1 [hbm4b:s13+s14], $0x20, $0x38;
	[tilespmem:$0x10040] =	vst v63  }
0x18: {  	p1 =	seq.s32 s9, $0x0  }
0x19: {  	p2 =	seq.s32 @!p1 s9, $0x5  }
0x1a: {  	p1 =	por p1, p2  }
.Ltmp2:
0x1b: {  	_ = 	snop;
	(pc) =	sbr.rel @p1 .LBB2_9-.Ltmp2, $1  }
0x1c: {  	_ =	sdelay $0x3  }
0x1d: {  	s12 =	simm.s32 $0x1  }
0x1e: {  	_ =	swait.ge [sflag:s5], $0x20;
	s13 =	sand.u32 $0x1, s9;
	s12 =	simm.s32 @!p0 $0x0  }
0x1f: {  	s15 =	simm.s32 $0x0;
	p2 =	por $0x1, $0x1;
	s12 =	sshll.u32 s12, $0x11  }
0x20: {  	[sflag:s5] =	ssyncset.done $0x0;
	s13 =	sshll.u32 s13, $0x5;
	s14 =	sshrl.u32 s12, $0x2  }
0x21: {  	[sflag:s5] =	ssyncadd.s32 $0xFFFFFFE0;
	s12 =	sor.u32 $0x40, s14;
	s14 =	sadd.s32 $0x40, s14  }
.LBB2_3:
0x22: {  	s16 =	sshll.u32 s15, $0x4  }
0x23: {  	s16 =	sand.u32 $0x3FFFFFF0, s16  }
0x24: {  	s16 =	sadd.s32 s16, s13  }
0x25: {  	v0 =	vld.msk [tilespmem:s16+$0x0 ss:$0x1], $0xffff;
	_ =	sdelay $0x4  }
0x26: {  	vm2 =	vgt.s32 v0, $0x0  }
0x27: {  	v0 =	vnsel vm2, $0x0, v0  }
0x28: {  	v0 =	vmin.u32 v0, $0xFFF  }
0x29: {  	v1 =	vshll.u32 v0, $0x7;
	v0 =	vshll.u32 v0, $0x4  }
0x2a: {  	v1 =	vand.u32 $0x7FC00, v1;
	v0 =	vand.u32 $0x70, v0  }
0x2b: {  	v0 =	vor.u32 v0, v1  }
0x2c: {  	s31 =	sshll.u32 s15, $0x10  }
0x2d: {  	s15 =	sshra.s32 s31, $0x2  }
0x2e: {  	s15 =	sadd.s32 s15, s14  }
0x2f: {  	s17 =	sadd.s32 $0x0, s15  }
0x30: {  	[tilespmem:s17], [sflag:$0x1] =	stream.indirect_vreg.gather [hbm:s2], $0x80, v0, vm0, $0x38;
	[tilespmem:$0x10040] =	vst v63  }
0x31: {  	p1 =	por p2, p2;
	s16 =	simm.s32 $0x1000;
	v1 =	vadd.s32 $0x80, v0;
	s17 =	sadd.s32 $0x2000, s17  }
.LBB2_4:
0x32: {  	[tilespmem:s17], [sflag:$0x1] =	stream.indirect_vreg.gather [hbm:s2], $0x80, v0, vm1, $0x38;
	[tilespmem:$0x10040] =	vst v63  }
0x33: {  	v0 =	vmov v1;
	s17 =	smov.u32 s16;
	p2 =	sne.s32 s16, $0x7000  }
.Ltmp3:
0x34: {  	s16 =	sadd.s32 $0x1000, s16;
	(pc) =	sbr.rel @p2 .LBB2_4-.Ltmp3, $4  }
0x35: {  	s17 =	sshra.s32 s17, $0x2  }
0x36: {  	s17 =	sadd.s32 s17, s15  }
0x37: {  	[tilespmem:s17], [sflag:$0x1] =	stream.indirect_vreg.gather [hbm:s2], $0x80, v1, vm0, $0x38;
	[tilespmem:$0x10040] =	vst v63  }
0x38: {  	s17 =	sadd.s32 $0x2000, s17;
	v1 =	vadd.s32 $0x80, v1  }
0x39: {  	_ = 	snop  }
.Ltmp4:
0x3a: {  	_ = 	snop;
	(pc) =	sbr.rel @p1 .LBB2_3-.Ltmp4, $3  }
0x3b: {  	_ =	sdelay $0x1  }
0x3c: {  	[tilespmem:s17], [sflag:$0x1] =	stream.indirect_vreg.gather [hbm:s2], $0x80, v0, vm1, $0x38;
	[tilespmem:$0x10040] =	vst v63  }
0x3d: {  	s15 =	simm.s32 $0x1;
	p2 =	por $0x0, $0x0  }
0x3e: {  	s13 =	sshll.u32 s11, $0x7  }
0x3f: {  	s31 =	sshll.u32 s11, $0x4;
	s13 =	sand.u32 $0xFFFFFC00, s13  }
0x40: {  	_ =	swait.ge [sflag:s4], $0x8000;
	s11 =	sand.u32 $0x70, s31;
	s13 =	sadd.s32 s13, s7  }
0x41: {  	s14 =	sadd.s32 $0x2000, s12;
	[sflag:s4] =	ssyncset.done $0x0;
	s11 =	sadd.s32 s11, s13  }
0x42: {  	[sflag:s4] =	ssyncadd.s32 $0xFFFF8000;
	s13 =	simm.s32 $0x400;
	s15 =	sadd.s32 $0x0, s11  }
.LBB2_7:
0x43: {  	[hbm:s15] =	stream.linear.scatter [tilespmem:s12], [sflag:$0x3], $0x2000, $0x38;
	[tilespmem:$0x10040] =	vst v63  }
0x44: {  	s15 =	smov.u32 s13;
	s12 =	smov.u32 s14;
	p1 =	sne.s32 s13, $0xC00  }
.Ltmp5:
0x45: {  	s13 =	sadd.s32 $0x400, s13;
	(pc) =	sbr.rel @p1 .LBB2_7-.Ltmp5, $2  }
0x46: {  	_ =	sdelay $0x2  }
0x47: {  	s14 =	sadd.s32 $0x2000, s14;
	s15 =	sadd.s32 s15, s11  }
.Ltmp6:
0x48: {  	(pc) =	sbr.rel .LBB2_9-.Ltmp6, $2  }
0x49: {  	_ =	sdelay $0x2  }
0x4a: {  	[hbm:s15] =	stream.linear.scatter [tilespmem:s12], [sflag:$0x3], $0x2000, $0x38;
	[tilespmem:$0x10040] =	vst v63  }
.LBB2_10:
0x4b: {  	_ =	sfence.sel $0x180000  }
0x4c: {  	s2 =	simm.s32 $0x2;
	[bflag:$0x0] =	sbarrier.arrive $0xFFFF  }
0x4d: {  	s30 =	simm.s32 $0x3;
	[sflag:s2] =	ssyncpa.u1 $0x1  }
0x4e: {  	s31 =	simm.s32 $0x1;
	[sflag:s30] =	ssyncpa.u1 $0x1  }
0x4f: {  	[sflag:s31] =	ssyncpa.u1 $0x1  }
0x50: {  	p0 =	sne.s32 s1, $0x0;
	_ =	strace $0x90000047  }
0x51: {  	s0 =	sadd.s32 @!p0 $0x100000, s0;
	[bflag:$0x2] =	sbarrier.arrive $0xFFFF  }
0x52: {  	[sflag:s0] =	ssyncadd.tile.s32 @!p0 $0x1;
	_ =	shalt  }
.Lfunc_end2:
_tile_overlayer_lowered:
.L_overlay_start_2:
0x53: {  	(tag) =	ssettag $0x2  }
0x54: {  	s0 =	rddreg [dreg:$0x0];
	s2 =	stileid.u32  }
0x55: {  	s1 =	rddreg [dreg:$0x1];
	p0 =	sne.s32 s2, $0x0  }
0x56: {  	s3 =	rddreg [dreg:$0x2];
	[bflag:$0x3] =	sbarrier.arrive $0xFFFF;
	s2 =	simm.s32 @!p0 $0x1C01  }
0x57: {  	[timem:s3], [sflag:s2] =	dma.local @!p0 [hbm:s0], s1  }
0x58: {  	s0 =	simm.s32 @!p0 $0x1  }
0x59: {  	_ =	swait.ge @!p0 [sflag:s0], s1  }
0x5a: {  	s1 =	ssub.s32 @!p0 $0x0, s1;
	[sflag:s0] =	ssyncset.done @!p0 $0x0  }
0x5b: {  	[sflag:s0] =	ssyncadd.s32 @!p0 s1  }
0x5c: {  	[bflag:$0x3] =	sbarrier.arrive $0xFFFF  }
0x5d: {  	_ =	shalt  }

</sc_bundles>
